<compile_context>
chip_gen: v7x
topology: tpu7x:2x2x1
jax: 0.10.2.dev20260603
libtpu: 0.0.44.dev20260713+nightly
codegen_flags: <defaults>
</compile_context>

<pallas_src>
import functools

import jax
import jax.numpy as jnp
from jax import lax
from jax.experimental import pallas as pl
from jax.experimental.pallas import tpu as pltpu
from jax.experimental.pallas import tpu_sc as plsc

N = 10000
D = 128
NC = 2
NS = 16
NW = NC * NS
C = 128

N_PAD = 10112
ROWS_PER_TILE = N_PAD // NS
DEG_PAD = 10240
DEG_PER_TILE = DEG_PAD // NS


def _sc_segment_sum(x_pad, src_chunks, dst_chunks, zeros2d, zeros1d, cpt):
    mesh = plsc.VectorSubcoreMesh(core_axis_name="c", subcore_axis_name="s")

    npc = cpt // 2

    @functools.partial(
        pl.kernel,
        out_type=(
            jax.ShapeDtypeStruct((NC, N_PAD, D), jnp.float32),
            jax.ShapeDtypeStruct((NC, 1, DEG_PAD), jnp.float32),
        ),
        mesh=mesh,
        scratch_types=[
            pltpu.VMEM_SHARED((N_PAD, D), jnp.float32),
            pltpu.VMEM_SHARED((DEG_PAD,), jnp.float32),
            pltpu.VMEM((npc, C), jnp.int32),
            pltpu.VMEM((npc, C), jnp.int32),
            pltpu.VMEM((C, D), jnp.float32),
            pltpu.VMEM((C, D), jnp.float32),
            pltpu.VMEM((C,), jnp.float32),
        ] + [pltpu.SemaphoreType.DMA] * 6,
    )
    def kern(x_hbm, src_hbm, dst_hbm, z2_hbm, z1_hbm, out_sum, out_deg,
             acc_sh, deg_sh, src_v, dst_v, r0, r1, ones_v,
             g0, g1, s0, s1, d0, d1):
        rows = [r0, r1]
        gsems = [g0, g1]
        ssems = [s0, s1]
        dsems = [d0, d1]
        cid = lax.axis_index("c")
        sid = lax.axis_index("s")
        wid = cid * NS + sid

        def fire_gather(j, b):
            pltpu.async_copy(x_hbm.at[src_v.at[j]], rows[b], gsems[b])

        def wait_gather(j, b):
            pltpu.make_async_copy(x_hbm.at[src_v.at[j]], rows[b], gsems[b]).wait()

        def fire_scat(j, b):
            pltpu.async_copy(rows[b], acc_sh.at[dst_v.at[j]], ssems[b], add=True)
            pltpu.async_copy(ones_v, deg_sh.at[dst_v.at[j]], dsems[b], add=True)

        def wait_scat(j, b):
            pltpu.make_async_copy(rows[b], acc_sh.at[dst_v.at[j]], ssems[b]).wait()

        def wait_deg(j, b):
            pltpu.make_async_copy(ones_v, deg_sh.at[dst_v.at[j]], dsems[b]).wait()

        def visit(j, b, wait_prev_scat, fire_g, wait_prev_deg):
            o = 1 - b
            if wait_prev_scat:
                wait_scat(j - 1, o)
            if fire_g:
                fire_gather(j + 1, o)
            if wait_prev_deg:
                wait_deg(j - 2, b)
            wait_gather(j, b)
            fire_scat(j, b)

        pltpu.sync_copy(src_hbm.at[pl.ds(wid * cpt, npc)], src_v)
        pltpu.sync_copy(dst_hbm.at[pl.ds(wid * cpt, npc)], dst_v)
        for i in range(C // 16):
            ones_v[pl.ds(i * 16, 16)] = jnp.full((16,), 1.0, jnp.float32)
        fire_gather(0, 0)
        fire_gather(1, 1)

        zbase = sid * ROWS_PER_TILE
        for r in range(0, ROWS_PER_TILE, C):
            nrows = min(C, ROWS_PER_TILE - r)
            pltpu.sync_copy(z2_hbm.at[pl.ds(0, nrows)],
                            acc_sh.at[pl.ds(zbase + r, nrows)])
        pltpu.sync_copy(z1_hbm, deg_sh.at[pl.ds(sid * DEG_PER_TILE, DEG_PER_TILE)])

        plsc.subcore_barrier()

        for h in range(cpt // npc):
            if h > 0:
                pltpu.sync_copy(src_hbm.at[pl.ds(wid * cpt + h * npc, npc)],
                                src_v)
                pltpu.sync_copy(dst_hbm.at[pl.ds(wid * cpt + h * npc, npc)],
                                dst_v)
                fire_gather(0, 0)
                fire_gather(1, 1)
            visit(0, 0, False, False, False)
            visit(1, 1, True, True, False)

            def body(t, _):
                visit(2 * t, 0, True, True, True)
                visit(2 * t + 1, 1, True, True, True)
                return 0

            lax.fori_loop(1, npc // 2 - 1, body, 0)

            visit(npc - 2, 0, True, True, True)
            visit(npc - 1, 1, True, False, True)
            wait_scat(npc - 1, 1)
            wait_deg(npc - 2, 0)
            wait_deg(npc - 1, 1)

        plsc.subcore_barrier()

        pltpu.sync_copy(acc_sh.at[pl.ds(zbase, ROWS_PER_TILE)],
                        out_sum.at[cid, pl.ds(zbase, ROWS_PER_TILE)])
        pltpu.sync_copy(deg_sh.at[pl.ds(sid * DEG_PER_TILE, DEG_PER_TILE)],
                        out_deg.at[cid, 0,
                                   pl.ds(sid * DEG_PER_TILE, DEG_PER_TILE)])

    return kern(x_pad, src_chunks, dst_chunks, zeros2d, zeros1d)


RPK_KB = 640
RPK_RE = 625


def _repack(ei, dummy_src, dummy_dst, k_chunks):
    eb = RPK_RE * C

    def body(e_ref, dsrc_ref, ddst_ref, osrc_ref, odst_ref):
        osrc_ref[:RPK_RE] = e_ref[0].reshape(RPK_RE, C)
        odst_ref[:RPK_RE] = e_ref[1].reshape(RPK_RE, C)
        osrc_ref[RPK_RE:] = dsrc_ref[...]
        odst_ref[RPK_RE:] = ddst_ref[...]

    return pl.pallas_call(
        body,
        grid=(k_chunks // RPK_KB,),
        in_specs=[
            pl.BlockSpec((2, eb), lambda i: (0, i)),
            pl.BlockSpec((RPK_KB - RPK_RE, C), lambda i: (0, 0)),
            pl.BlockSpec((RPK_KB - RPK_RE, C), lambda i: (0, 0)),
        ],
        out_specs=[
            pl.BlockSpec((RPK_KB, C), lambda i: (i, 0)),
            pl.BlockSpec((RPK_KB, C), lambda i: (i, 0)),
        ],
        out_shape=[
            jax.ShapeDtypeStruct((k_chunks, C), jnp.int32),
            jax.ShapeDtypeStruct((k_chunks, C), jnp.int32),
        ],
    )(ei, dummy_src, dummy_dst)


TC_B = 1024


def _tc_linr(x, wr_t, b_l):

    def body(x_ref, wr_ref, b_ref, o_ref):
        o_ref[...] = (
            jnp.dot(x_ref[...], wr_ref[...], preferred_element_type=jnp.float32)
            + b_ref[...]
        )

    return pl.pallas_call(
        body,
        grid=(-(-N // TC_B),),
        in_specs=[
            pl.BlockSpec((TC_B, D), lambda i: (i, 0)),
            pl.BlockSpec((D, D), lambda i: (0, 0)),
            pl.BlockSpec((1, D), lambda i: (0, 0)),
        ],
        out_specs=pl.BlockSpec((TC_B, D), lambda i: (i, 0)),
        out_shape=jax.ShapeDtypeStruct((N, D), jnp.float32),
    )(x, wr_t, b_l)


def _tc_combine(sums, degs, yr, wl_t):

    def body(s_ref, d_ref, yr_ref, wl_ref, o_ref):
        s = s_ref[0] + s_ref[1]
        d = d_ref[0, 0] + d_ref[1, 0]
        mean = s / jnp.maximum(d, 1.0)[:, None]
        o_ref[...] = (
            jnp.dot(mean, wl_ref[...], preferred_element_type=jnp.float32)
            + yr_ref[...]
        )

    return pl.pallas_call(
        body,
        grid=(-(-N // TC_B),),
        in_specs=[
            pl.BlockSpec((NC, TC_B, D), lambda i: (0, i, 0)),
            pl.BlockSpec((NC, 1, TC_B), lambda i: (0, 0, i)),
            pl.BlockSpec((TC_B, D), lambda i: (i, 0)),
            pl.BlockSpec((D, D), lambda i: (0, 0)),
        ],
        out_specs=pl.BlockSpec((TC_B, D), lambda i: (i, 0)),
        out_shape=jax.ShapeDtypeStruct((N, D), jnp.float32),
    )(sums, degs, yr, wl_t)


def kernel(x, edge_index, W_l, b_l, W_r):
    e = edge_index.shape[1]
    k_chunks = (e // (RPK_RE * C)) * RPK_KB
    cpt = k_chunks // NW

    nd = (RPK_KB - RPK_RE) * C
    ar = jnp.arange(nd, dtype=jnp.int32)
    dummy_src = (ar % C).reshape(-1, C)
    dummy_dst = (N + ar % (N_PAD - N)).reshape(-1, C)

    src, dst = _repack(edge_index.astype(jnp.int32), dummy_src, dummy_dst,
                       k_chunks)

    zeros2d = jnp.zeros((C, D), jnp.float32)
    zeros1d = jnp.zeros((DEG_PER_TILE,), jnp.float32)

    sums, degs = _sc_segment_sum(x, src, dst, zeros2d, zeros1d, cpt)
    yr = _tc_linr(x, W_r.T, b_l.reshape(1, D))
    return _tc_combine(sums, degs, yr, W_l.T)

# --- scband reference (transcript-rebuilt; emitter-appended) ---
"""Pipeline reference for scband-message-passing-layer-12111807774832 (READ-ONLY COPY).

The authoritative reference and input builder live on the scoring server;
editing this copy changes nothing except your own understanding.
"""

import jax, jax.numpy as jnp
import numpy as np

N = 10000
E = 320000
D_IN = 128
D_OUT = 128


def setup_inputs(seed: int = 0) -> dict:
    key = jax.random.key(seed)
    k1, k2, k3, k4 = jax.random.split(key, 4)
    x = jax.random.normal(k1, (N, D_IN), dtype=jnp.float32)
    edge_index = jax.random.randint(k2, (2, E), 0, N)
    # SAGEConv parameters (PyG default: root_weight=True, mean aggregation,
    # lin_l has bias, lin_r has no bias)
    scale = 1.0 / np.sqrt(D_IN)
    W_l = jax.random.uniform(k3, (D_OUT, D_IN), dtype=jnp.float32, minval=-scale, maxval=scale)
    b_l = jnp.zeros((D_OUT,), dtype=jnp.float32)
    W_r = jax.random.uniform(k4, (D_OUT, D_IN), dtype=jnp.float32, minval=-scale, maxval=scale)
    return {"x": x, "edge_index": edge_index, "W_l": W_l, "b_l": b_l, "W_r": W_r}


def reference(x, edge_index, W_l, b_l, W_r):
    # message_type == 'node_concat' -> SAGEConv(in_channels, out_channels)
    # out = lin_l(mean_{j in N(i)} x_j) + lin_r(x_i)
    src = edge_index[0]
    dst = edge_index[1]
    msgs = jnp.take(x, src, axis=0)                       # gather: [E, D_IN]
    summed = jax.ops.segment_sum(msgs, dst, num_segments=N)  # scatter-add: [N, D_IN]
    deg = jax.ops.segment_sum(jnp.ones((msgs.shape[0],), dtype=x.dtype), dst, num_segments=N)
    mean = summed / jnp.clip(deg, 1.0)[:, None]           # mean aggregation (0 for isolated nodes)
    out = mean @ W_l.T + b_l + x @ W_r.T
    return out

if __name__ == "__main__":
    import jax
    _d = setup_inputs()
    print(jax.jit(kernel)(*tuple(_d.values())))

</pallas_src>

<mosaic_0001>
#map = affine_map<(d0, d1) -> (0, 0)>
#map1 = affine_map<(d0, d1) -> (0)>
#map2 = affine_map<(d0, d1) -> (0, 0, 0)>
module attributes {stable_mosaic.version = 14 : i64} {
  func.func @kern(%arg0: i32, %arg1: i32, %arg2: memref<10000x128xf32, #tpu.memory_space<hbm>>, %arg3: memref<2560x128xi32, #tpu.memory_space<hbm>>, %arg4: memref<2560x128xi32, #tpu.memory_space<hbm>>, %arg5: memref<128x128xf32, #tpu.memory_space<hbm>>, %arg6: memref<640xf32, #tpu.memory_space<hbm>>, %arg7: memref<2x10112x128xf32, #tpu.memory_space<hbm>>, %arg8: memref<2x1x10240xf32, #tpu.memory_space<hbm>>, %arg9: memref<10112x128xf32, #tpu.memory_space<vmem_shared>>, %arg10: memref<10240xf32, #tpu.memory_space<vmem_shared>>, %arg11: memref<40x128xi32, #tpu.memory_space<vmem>>, %arg12: memref<40x128xi32, #tpu.memory_space<vmem>>, %arg13: memref<128x128xf32, #tpu.memory_space<vmem>>, %arg14: memref<128x128xf32, #tpu.memory_space<vmem>>, %arg15: memref<128xf32, #tpu.memory_space<vmem>>, %arg16: memref<!tpu.dma_semaphore, #tpu.memory_space<semaphore_mem>>, %arg17: memref<!tpu.dma_semaphore, #tpu.memory_space<semaphore_mem>>, %arg18: memref<!tpu.dma_semaphore, #tpu.memory_space<semaphore_mem>>, %arg19: memref<!tpu.dma_semaphore, #tpu.memory_space<semaphore_mem>>, %arg20: memref<!tpu.dma_semaphore, #tpu.memory_space<semaphore_mem>>, %arg21: memref<!tpu.dma_semaphore, #tpu.memory_space<semaphore_mem>>) attributes {dimension_semantics = [#tpu.dimension_semantics<core_parallel>, #tpu.dimension_semantics<subcore_parallel>], iteration_bounds = array<i64: 2, 16>, scalar_prefetch = 0 : i64, scratch_operands = 13 : i64, tpu.core_type = #tpu.core_type<sc_vector_subcore>, window_params = [{transform_indices = #map}, {transform_indices = #map}, {transform_indices = #map}, {transform_indices = #map}, {transform_indices = #map1}, {transform_indices = #map2}, {transform_indices = #map2}]} {
    %mul3A = arith.constant 16 : i32
    %mul3A_0 = arith.muli %arg0, %mul3A : i32
    %add3A = arith.addi %mul3A_0, %arg1 : i32
    %mul3A_1 = arith.constant 80 : i32
    %mul3A_2 = arith.muli %add3A, %mul3A_1 : i32
    "tpu.region"() ({
      %run_scoped3A_409 = tpu.sem_alloc : memref<!tpu.dma_semaphore, #tpu.memory_space<semaphore_mem>>
      %dma_start3A_410 = arith.constant 0 : i32
      %dma_start3A_411 = tpu.memref_slice %arg3[%mul3A_2, %dma_start3A_410] : memref<2560x128xi32, #tpu.memory_space<hbm>> -> memref<40x128xi32, #tpu.memory_space<hbm>>
      %dma_start3A_412 = arith.constant 0 : i32
      %dma_start3A_413 = tpu.memref_slice %arg3[%mul3A_2, %dma_start3A_412] : memref<2560x128xi32, #tpu.memory_space<hbm>> -> memref<40x128xi32, #tpu.memory_space<hbm>>
      tpu.enqueue_dma source(%dma_start3A_413 : memref<40x128xi32, #tpu.memory_space<hbm>>) target(%arg11 : memref<40x128xi32, #tpu.memory_space<vmem>>) target_semaphore(%run_scoped3A_409 : memref<!tpu.dma_semaphore, #tpu.memory_space<semaphore_mem>>)
      %dma_wait3A_414 = arith.constant 0 : i32
      %dma_wait3A_415 = tpu.memref_slice %arg3[%mul3A_2, %dma_wait3A_414] : memref<2560x128xi32, #tpu.memory_space<hbm>> -> memref<40x128xi32, #tpu.memory_space<hbm>>
      %dma_wait3A_416 = arith.constant 0 : i32
      %dma_wait3A_417 = tpu.memref_slice %arg3[%mul3A_2, %dma_wait3A_416] : memref<2560x128xi32, #tpu.memory_space<hbm>> -> memref<40x128xi32, #tpu.memory_space<hbm>>
      tpu.wait_dma2 semaphore(%run_scoped3A_409 : memref<!tpu.dma_semaphore, #tpu.memory_space<semaphore_mem>>) src(%dma_wait3A_417 : memref<40x128xi32, #tpu.memory_space<hbm>>) dst(%arg11 : memref<40x128xi32, #tpu.memory_space<vmem>>)
      tpu.yield
    }) : () -> ()
    %mul3A_3 = arith.constant 80 : i32
    %mul3A_4 = arith.muli %add3A, %mul3A_3 : i32
    "tpu.region"() ({
      %run_scoped3A_409 = tpu.sem_alloc : memref<!tpu.dma_semaphore, #tpu.memory_space<semaphore_mem>>
      %dma_start3A_410 = arith.constant 0 : i32
      %dma_start3A_411 = tpu.memref_slice %arg4[%mul3A_4, %dma_start3A_410] : memref<2560x128xi32, #tpu.memory_space<hbm>> -> memref<40x128xi32, #tpu.memory_space<hbm>>
      %dma_start3A_412 = arith.constant 0 : i32
      %dma_start3A_413 = tpu.memref_slice %arg4[%mul3A_4, %dma_start3A_412] : memref<2560x128xi32, #tpu.memory_space<hbm>> -> memref<40x128xi32, #tpu.memory_space<hbm>>
      tpu.enqueue_dma source(%dma_start3A_413 : memref<40x128xi32, #tpu.memory_space<hbm>>) target(%arg12 : memref<40x128xi32, #tpu.memory_space<vmem>>) target_semaphore(%run_scoped3A_409 : memref<!tpu.dma_semaphore, #tpu.memory_space<semaphore_mem>>)
      %dma_wait3A_414 = arith.constant 0 : i32
      %dma_wait3A_415 = tpu.memref_slice %arg4[%mul3A_4, %dma_wait3A_414] : memref<2560x128xi32, #tpu.memory_space<hbm>> -> memref<40x128xi32, #tpu.memory_space<hbm>>
      %dma_wait3A_416 = arith.constant 0 : i32
      %dma_wait3A_417 = tpu.memref_slice %arg4[%mul3A_4, %dma_wait3A_416] : memref<2560x128xi32, #tpu.memory_space<hbm>> -> memref<40x128xi32, #tpu.memory_space<hbm>>
      tpu.wait_dma2 semaphore(%run_scoped3A_409 : memref<!tpu.dma_semaphore, #tpu.memory_space<semaphore_mem>>) src(%dma_wait3A_417 : memref<40x128xi32, #tpu.memory_space<hbm>>) dst(%arg12 : memref<40x128xi32, #tpu.memory_space<vmem>>)
      tpu.yield
    }) : () -> ()
    %broadcast_in_dim3A = arith.constant 1.000000e+00 : f32
    %broadcast_in_dim3A_5 = vector.broadcast %broadcast_in_dim3A : f32 to vector<16xf32>
    %swap3A = arith.constant 0 : index
    %swap3A_6 = tpu.vector_load %arg15[%swap3A] {strides = array<i32>} : memref<128xf32, #tpu.memory_space<vmem>>, vector<16xf32>,
    %swap3A_7 = vector.shape_cast %swap3A_6 : vector<16xf32> to vector<16xf32>
    %swap3A_8 = vector.shape_cast %broadcast_in_dim3A_5 : vector<16xf32> to vector<16xf32>
    tpu.vector_store %arg15[%swap3A], %swap3A_8 {strides = array<i32>} : memref<128xf32, #tpu.memory_space<vmem>>, vector<16xf32>,
    %broadcast_in_dim3A_9 = arith.constant 1.000000e+00 : f32
    %broadcast_in_dim3A_10 = vector.broadcast %broadcast_in_dim3A_9 : f32 to vector<16xf32>
    %swap3A_11 = arith.constant 16 : index
    %swap3A_12 = tpu.vector_load %arg15[%swap3A_11] {strides = array<i32>} : memref<128xf32, #tpu.memory_space<vmem>>, vector<16xf32>,
    %swap3A_13 = vector.shape_cast %swap3A_12 : vector<16xf32> to vector<16xf32>
    %swap3A_14 = vector.shape_cast %broadcast_in_dim3A_10 : vector<16xf32> to vector<16xf32>
    tpu.vector_store %arg15[%swap3A_11], %swap3A_14 {strides = array<i32>} : memref<128xf32, #tpu.memory_space<vmem>>, vector<16xf32>,
    %broadcast_in_dim3A_15 = arith.constant 1.000000e+00 : f32
    %broadcast_in_dim3A_16 = vector.broadcast %broadcast_in_dim3A_15 : f32 to vector<16xf32>
    %swap3A_17 = arith.constant 32 : index
    %swap3A_18 = tpu.vector_load %arg15[%swap3A_17] {strides = array<i32>} : memref<128xf32, #tpu.memory_space<vmem>>, vector<16xf32>,
    %swap3A_19 = vector.shape_cast %swap3A_18 : vector<16xf32> to vector<16xf32>
    %swap3A_20 = vector.shape_cast %broadcast_in_dim3A_16 : vector<16xf32> to vector<16xf32>
    tpu.vector_store %arg15[%swap3A_17], %swap3A_20 {strides = array<i32>} : memref<128xf32, #tpu.memory_space<vmem>>, vector<16xf32>,
    %broadcast_in_dim3A_21 = arith.constant 1.000000e+00 : f32
    %broadcast_in_dim3A_22 = vector.broadcast %broadcast_in_dim3A_21 : f32 to vector<16xf32>
    %swap3A_23 = arith.constant 48 : index
    %swap3A_24 = tpu.vector_load %arg15[%swap3A_23] {strides = array<i32>} : memref<128xf32, #tpu.memory_space<vmem>>, vector<16xf32>,
    %swap3A_25 = vector.shape_cast %swap3A_24 : vector<16xf32> to vector<16xf32>
    %swap3A_26 = vector.shape_cast %broadcast_in_dim3A_22 : vector<16xf32> to vector<16xf32>
    tpu.vector_store %arg15[%swap3A_23], %swap3A_26 {strides = array<i32>} : memref<128xf32, #tpu.memory_space<vmem>>, vector<16xf32>,
    %broadcast_in_dim3A_27 = arith.constant 1.000000e+00 : f32
    %broadcast_in_dim3A_28 = vector.broadcast %broadcast_in_dim3A_27 : f32 to vector<16xf32>
    %swap3A_29 = arith.constant 64 : index
    %swap3A_30 = tpu.vector_load %arg15[%swap3A_29] {strides = array<i32>} : memref<128xf32, #tpu.memory_space<vmem>>, vector<16xf32>,
    %swap3A_31 = vector.shape_cast %swap3A_30 : vector<16xf32> to vector<16xf32>
    %swap3A_32 = vector.shape_cast %broadcast_in_dim3A_28 : vector<16xf32> to vector<16xf32>
    tpu.vector_store %arg15[%swap3A_29], %swap3A_32 {strides = array<i32>} : memref<128xf32, #tpu.memory_space<vmem>>, vector<16xf32>,
    %broadcast_in_dim3A_33 = arith.constant 1.000000e+00 : f32
    %broadcast_in_dim3A_34 = vector.broadcast %broadcast_in_dim3A_33 : f32 to vector<16xf32>
    %swap3A_35 = arith.constant 80 : index
    %swap3A_36 = tpu.vector_load %arg15[%swap3A_35] {strides = array<i32>} : memref<128xf32, #tpu.memory_space<vmem>>, vector<16xf32>,
    %swap3A_37 = vector.shape_cast %swap3A_36 : vector<16xf32> to vector<16xf32>
    %swap3A_38 = vector.shape_cast %broadcast_in_dim3A_34 : vector<16xf32> to vector<16xf32>
    tpu.vector_store %arg15[%swap3A_35], %swap3A_38 {strides = array<i32>} : memref<128xf32, #tpu.memory_space<vmem>>, vector<16xf32>,
    %broadcast_in_dim3A_39 = arith.constant 1.000000e+00 : f32
    %broadcast_in_dim3A_40 = vector.broadcast %broadcast_in_dim3A_39 : f32 to vector<16xf32>
    %swap3A_41 = arith.constant 96 : index
    %swap3A_42 = tpu.vector_load %arg15[%swap3A_41] {strides = array<i32>} : memref<128xf32, #tpu.memory_space<vmem>>, vector<16xf32>,
    %swap3A_43 = vector.shape_cast %swap3A_42 : vector<16xf32> to vector<16xf32>
    %swap3A_44 = vector.shape_cast %broadcast_in_dim3A_40 : vector<16xf32> to vector<16xf32>
    tpu.vector_store %arg15[%swap3A_41], %swap3A_44 {strides = array<i32>} : memref<128xf32, #tpu.memory_space<vmem>>, vector<16xf32>,
    %broadcast_in_dim3A_45 = arith.constant 1.000000e+00 : f32
    %broadcast_in_dim3A_46 = vector.broadcast %broadcast_in_dim3A_45 : f32 to vector<16xf32>
    %swap3A_47 = arith.constant 112 : index
    %swap3A_48 = tpu.vector_load %arg15[%swap3A_47] {strides = array<i32>} : memref<128xf32, #tpu.memory_space<vmem>>, vector<16xf32>,
    %swap3A_49 = vector.shape_cast %swap3A_48 : vector<16xf32> to vector<16xf32>
    %swap3A_50 = vector.shape_cast %broadcast_in_dim3A_46 : vector<16xf32> to vector<16xf32>
    tpu.vector_store %arg15[%swap3A_47], %swap3A_50 {strides = array<i32>} : memref<128xf32, #tpu.memory_space<vmem>>, vector<16xf32>,
    %dma_start3A = arith.constant 0 : i32
    %dma_start3A_51 = arith.constant 0 : i32
    %dma_start3A_52 = tpu.memref_slice %arg11[%dma_start3A, %dma_start3A_51] : memref<40x128xi32, #tpu.memory_space<vmem>> -> memref<1x128xi32, #tpu.memory_space<vmem>>
    %dma_start3A_53 = tpu.memref_squeeze %dma_start3A_52 : memref<1x128xi32, #tpu.memory_space<vmem>> -> memref<128xi32, #tpu.memory_space<vmem>>
    %dma_start3A_54 = arith.constant 0 : i32
    %dma_start3A_55 = arith.constant 0 : i32
    %dma_start3A_56 = tpu.memref_slice %arg2[%dma_start3A_54, %dma_start3A_55] : memref<10000x128xf32, #tpu.memory_space<hbm>> -> memref<10000x128xf32, #tpu.memory_space<hbm>>
    tpu.enqueue_indirect_dma source(%dma_start3A_56 : memref<10000x128xf32, #tpu.memory_space<hbm>>) target(%arg13 : memref<128x128xf32, #tpu.memory_space<vmem>>) offsets(%dma_start3A_53 : memref<128xi32, #tpu.memory_space<vmem>>) semaphore(%arg16 : memref<!tpu.dma_semaphore, #tpu.memory_space<semaphore_mem>>)
    %dma_start3A_57 = arith.constant 1 : i32
    %dma_start3A_58 = arith.constant 0 : i32
    %dma_start3A_59 = tpu.memref_slice %arg11[%dma_start3A_57, %dma_start3A_58] : memref<40x128xi32, #tpu.memory_space<vmem>> -> memref<1x128xi32, #tpu.memory_space<vmem>>
    %dma_start3A_60 = tpu.memref_squeeze %dma_start3A_59 : memref<1x128xi32, #tpu.memory_space<vmem>> -> memref<128xi32, #tpu.memory_space<vmem>>
    %dma_start3A_61 = arith.constant 0 : i32
    %dma_start3A_62 = arith.constant 0 : i32
    %dma_start3A_63 = tpu.memref_slice %arg2[%dma_start3A_61, %dma_start3A_62] : memref<10000x128xf32, #tpu.memory_space<hbm>> -> memref<10000x128xf32, #tpu.memory_space<hbm>>
    tpu.enqueue_indirect_dma source(%dma_start3A_63 : memref<10000x128xf32, #tpu.memory_space<hbm>>) target(%arg14 : memref<128x128xf32, #tpu.memory_space<vmem>>) offsets(%dma_start3A_60 : memref<128xi32, #tpu.memory_space<vmem>>) semaphore(%arg17 : memref<!tpu.dma_semaphore, #tpu.memory_space<semaphore_mem>>)
    %mul3A_64 = arith.constant 632 : i32
    %mul3A_65 = arith.muli %arg1, %mul3A_64 : i32
    %add3A_66 = arith.constant 0 : i32
    %add3A_67 = arith.addi %mul3A_65, %add3A_66 : i32
    "tpu.region"() ({
      %run_scoped3A_409 = tpu.sem_alloc : memref<!tpu.dma_semaphore, #tpu.memory_space<semaphore_mem>>
      %dma_start3A_410 = arith.constant 0 : i32
      %dma_start3A_411 = tpu.memref_slice %arg9[%add3A_67, %dma_start3A_410] : memref<10112x128xf32, #tpu.memory_space<vmem_shared>> -> memref<128x128xf32, #tpu.memory_space<vmem_shared>>
      %dma_start3A_412 = arith.constant 0 : i32
      %dma_start3A_413 = arith.constant 0 : i32
      %dma_start3A_414 = tpu.memref_slice %arg5[%dma_start3A_412, %dma_start3A_413] : memref<128x128xf32, #tpu.memory_space<hbm>> -> memref<128x128xf32, #tpu.memory_space<hbm>>
      tpu.enqueue_dma source(%dma_start3A_414 : memref<128x128xf32, #tpu.memory_space<hbm>>) target(%dma_start3A_411 : memref<128x128xf32, #tpu.memory_space<vmem_shared>>) target_semaphore(%run_scoped3A_409 : memref<!tpu.dma_semaphore, #tpu.memory_space<semaphore_mem>>)
      %dma_wait3A_415 = arith.constant 0 : i32
      %dma_wait3A_416 = tpu.memref_slice %arg9[%add3A_67, %dma_wait3A_415] : memref<10112x128xf32, #tpu.memory_space<vmem_shared>> -> memref<128x128xf32, #tpu.memory_space<vmem_shared>>
      %dma_wait3A_417 = arith.constant 0 : i32
      %dma_wait3A_418 = arith.constant 0 : i32
      %dma_wait3A_419 = tpu.memref_slice %arg5[%dma_wait3A_417, %dma_wait3A_418] : memref<128x128xf32, #tpu.memory_space<hbm>> -> memref<128x128xf32, #tpu.memory_space<hbm>>
      tpu.wait_dma2 semaphore(%run_scoped3A_409 : memref<!tpu.dma_semaphore, #tpu.memory_space<semaphore_mem>>) src(%dma_wait3A_419 : memref<128x128xf32, #tpu.memory_space<hbm>>) dst(%dma_wait3A_416 : memref<128x128xf32, #tpu.memory_space<vmem_shared>>)
      tpu.yield
    }) : () -> ()
    %add3A_68 = arith.constant 128 : i32
    %add3A_69 = arith.addi %mul3A_65, %add3A_68 : i32
    "tpu.region"() ({
      %run_scoped3A_409 = tpu.sem_alloc : memref<!tpu.dma_semaphore, #tpu.memory_space<semaphore_mem>>
      %dma_start3A_410 = arith.constant 0 : i32
      %dma_start3A_411 = tpu.memref_slice %arg9[%add3A_69, %dma_start3A_410] : memref<10112x128xf32, #tpu.memory_space<vmem_shared>> -> memref<128x128xf32, #tpu.memory_space<vmem_shared>>
      %dma_start3A_412 = arith.constant 0 : i32
      %dma_start3A_413 = arith.constant 0 : i32
      %dma_start3A_414 = tpu.memref_slice %arg5[%dma_start3A_412, %dma_start3A_413] : memref<128x128xf32, #tpu.memory_space<hbm>> -> memref<128x128xf32, #tpu.memory_space<hbm>>
      tpu.enqueue_dma source(%dma_start3A_414 : memref<128x128xf32, #tpu.memory_space<hbm>>) target(%dma_start3A_411 : memref<128x128xf32, #tpu.memory_space<vmem_shared>>) target_semaphore(%run_scoped3A_409 : memref<!tpu.dma_semaphore, #tpu.memory_space<semaphore_mem>>)
      %dma_wait3A_415 = arith.constant 0 : i32
      %dma_wait3A_416 = tpu.memref_slice %arg9[%add3A_69, %dma_wait3A_415] : memref<10112x128xf32, #tpu.memory_space<vmem_shared>> -> memref<128x128xf32, #tpu.memory_space<vmem_shared>>
      %dma_wait3A_417 = arith.constant 0 : i32
      %dma_wait3A_418 = arith.constant 0 : i32
      %dma_wait3A_419 = tpu.memref_slice %arg5[%dma_wait3A_417, %dma_wait3A_418] : memref<128x128xf32, #tpu.memory_space<hbm>> -> memref<128x128xf32, #tpu.memory_space<hbm>>
      tpu.wait_dma2 semaphore(%run_scoped3A_409 : memref<!tpu.dma_semaphore, #tpu.memory_space<semaphore_mem>>) src(%dma_wait3A_419 : memref<128x128xf32, #tpu.memory_space<hbm>>) dst(%dma_wait3A_416 : memref<128x128xf32, #tpu.memory_space<vmem_shared>>)
      tpu.yield
    }) : () -> ()
    %add3A_70 = arith.constant 256 : i32
    %add3A_71 = arith.addi %mul3A_65, %add3A_70 : i32
    "tpu.region"() ({
      %run_scoped3A_409 = tpu.sem_alloc : memref<!tpu.dma_semaphore, #tpu.memory_space<semaphore_mem>>
      %dma_start3A_410 = arith.constant 0 : i32
      %dma_start3A_411 = tpu.memref_slice %arg9[%add3A_71, %dma_start3A_410] : memref<10112x128xf32, #tpu.memory_space<vmem_shared>> -> memref<128x128xf32, #tpu.memory_space<vmem_shared>>
      %dma_start3A_412 = arith.constant 0 : i32
      %dma_start3A_413 = arith.constant 0 : i32
      %dma_start3A_414 = tpu.memref_slice %arg5[%dma_start3A_412, %dma_start3A_413] : memref<128x128xf32, #tpu.memory_space<hbm>> -> memref<128x128xf32, #tpu.memory_space<hbm>>
      tpu.enqueue_dma source(%dma_start3A_414 : memref<128x128xf32, #tpu.memory_space<hbm>>) target(%dma_start3A_411 : memref<128x128xf32, #tpu.memory_space<vmem_shared>>) target_semaphore(%run_scoped3A_409 : memref<!tpu.dma_semaphore, #tpu.memory_space<semaphore_mem>>)
      %dma_wait3A_415 = arith.constant 0 : i32
      %dma_wait3A_416 = tpu.memref_slice %arg9[%add3A_71, %dma_wait3A_415] : memref<10112x128xf32, #tpu.memory_space<vmem_shared>> -> memref<128x128xf32, #tpu.memory_space<vmem_shared>>
      %dma_wait3A_417 = arith.constant 0 : i32
      %dma_wait3A_418 = arith.constant 0 : i32
      %dma_wait3A_419 = tpu.memref_slice %arg5[%dma_wait3A_417, %dma_wait3A_418] : memref<128x128xf32, #tpu.memory_space<hbm>> -> memref<128x128xf32, #tpu.memory_space<hbm>>
      tpu.wait_dma2 semaphore(%run_scoped3A_409 : memref<!tpu.dma_semaphore, #tpu.memory_space<semaphore_mem>>) src(%dma_wait3A_419 : memref<128x128xf32, #tpu.memory_space<hbm>>) dst(%dma_wait3A_416 : memref<128x128xf32, #tpu.memory_space<vmem_shared>>)
      tpu.yield
    }) : () -> ()
    %add3A_72 = arith.constant 384 : i32
    %add3A_73 = arith.addi %mul3A_65, %add3A_72 : i32
    "tpu.region"() ({
      %run_scoped3A_409 = tpu.sem_alloc : memref<!tpu.dma_semaphore, #tpu.memory_space<semaphore_mem>>
      %dma_start3A_410 = arith.constant 0 : i32
      %dma_start3A_411 = tpu.memref_slice %arg9[%add3A_73, %dma_start3A_410] : memref<10112x128xf32, #tpu.memory_space<vmem_shared>> -> memref<128x128xf32, #tpu.memory_space<vmem_shared>>
      %dma_start3A_412 = arith.constant 0 : i32
      %dma_start3A_413 = arith.constant 0 : i32
      %dma_start3A_414 = tpu.memref_slice %arg5[%dma_start3A_412, %dma_start3A_413] : memref<128x128xf32, #tpu.memory_space<hbm>> -> memref<128x128xf32, #tpu.memory_space<hbm>>
      tpu.enqueue_dma source(%dma_start3A_414 : memref<128x128xf32, #tpu.memory_space<hbm>>) target(%dma_start3A_411 : memref<128x128xf32, #tpu.memory_space<vmem_shared>>) target_semaphore(%run_scoped3A_409 : memref<!tpu.dma_semaphore, #tpu.memory_space<semaphore_mem>>)
      %dma_wait3A_415 = arith.constant 0 : i32
      %dma_wait3A_416 = tpu.memref_slice %arg9[%add3A_73, %dma_wait3A_415] : memref<10112x128xf32, #tpu.memory_space<vmem_shared>> -> memref<128x128xf32, #tpu.memory_space<vmem_shared>>
      %dma_wait3A_417 = arith.constant 0 : i32
      %dma_wait3A_418 = arith.constant 0 : i32
      %dma_wait3A_419 = tpu.memref_slice %arg5[%dma_wait3A_417, %dma_wait3A_418] : memref<128x128xf32, #tpu.memory_space<hbm>> -> memref<128x128xf32, #tpu.memory_space<hbm>>
      tpu.wait_dma2 semaphore(%run_scoped3A_409 : memref<!tpu.dma_semaphore, #tpu.memory_space<semaphore_mem>>) src(%dma_wait3A_419 : memref<128x128xf32, #tpu.memory_space<hbm>>) dst(%dma_wait3A_416 : memref<128x128xf32, #tpu.memory_space<vmem_shared>>)
      tpu.yield
    }) : () -> ()
    %add3A_74 = arith.constant 512 : i32
    %add3A_75 = arith.addi %mul3A_65, %add3A_74 : i32
    "tpu.region"() ({
      %run_scoped3A_409 = tpu.sem_alloc : memref<!tpu.dma_semaphore, #tpu.memory_space<semaphore_mem>>
      %dma_start3A_410 = arith.constant 0 : i32
      %dma_start3A_411 = tpu.memref_slice %arg9[%add3A_75, %dma_start3A_410] : memref<10112x128xf32, #tpu.memory_space<vmem_shared>> -> memref<120x128xf32, #tpu.memory_space<vmem_shared>>
      %dma_start3A_412 = arith.constant 0 : i32
      %dma_start3A_413 = arith.constant 0 : i32
      %dma_start3A_414 = tpu.memref_slice %arg5[%dma_start3A_412, %dma_start3A_413] : memref<128x128xf32, #tpu.memory_space<hbm>> -> memref<120x128xf32, #tpu.memory_space<hbm>>
      tpu.enqueue_dma source(%dma_start3A_414 : memref<120x128xf32, #tpu.memory_space<hbm>>) target(%dma_start3A_411 : memref<120x128xf32, #tpu.memory_space<vmem_shared>>) target_semaphore(%run_scoped3A_409 : memref<!tpu.dma_semaphore, #tpu.memory_space<semaphore_mem>>)
      %dma_wait3A_415 = arith.constant 0 : i32
      %dma_wait3A_416 = tpu.memref_slice %arg9[%add3A_75, %dma_wait3A_415] : memref<10112x128xf32, #tpu.memory_space<vmem_shared>> -> memref<120x128xf32, #tpu.memory_space<vmem_shared>>
      %dma_wait3A_417 = arith.constant 0 : i32
      %dma_wait3A_418 = arith.constant 0 : i32
      %dma_wait3A_419 = tpu.memref_slice %arg5[%dma_wait3A_417, %dma_wait3A_418] : memref<128x128xf32, #tpu.memory_space<hbm>> -> memref<120x128xf32, #tpu.memory_space<hbm>>
      tpu.wait_dma2 semaphore(%run_scoped3A_409 : memref<!tpu.dma_semaphore, #tpu.memory_space<semaphore_mem>>) src(%dma_wait3A_419 : memref<120x128xf32, #tpu.memory_space<hbm>>) dst(%dma_wait3A_416 : memref<120x128xf32, #tpu.memory_space<vmem_shared>>)
      tpu.yield
    }) : () -> ()
    %mul3A_76 = arith.constant 640 : i32
    %mul3A_77 = arith.muli %arg1, %mul3A_76 : i32
    "tpu.region"() ({
      %run_scoped3A_409 = tpu.sem_alloc : memref<!tpu.dma_semaphore, #tpu.memory_space<semaphore_mem>>
      %dma_start3A_410 = tpu.memref_slice %arg10[%mul3A_77] : memref<10240xf32, #tpu.memory_space<vmem_shared>> -> memref<640xf32, #tpu.memory_space<vmem_shared>>
      tpu.enqueue_dma source(%arg6 : memref<640xf32, #tpu.memory_space<hbm>>) target(%dma_start3A_410 : memref<640xf32, #tpu.memory_space<vmem_shared>>) target_semaphore(%run_scoped3A_409 : memref<!tpu.dma_semaphore, #tpu.memory_space<semaphore_mem>>)
      %dma_wait3A_411 = tpu.memref_slice %arg10[%mul3A_77] : memref<10240xf32, #tpu.memory_space<vmem_shared>> -> memref<640xf32, #tpu.memory_space<vmem_shared>>
      tpu.wait_dma2 semaphore(%run_scoped3A_409 : memref<!tpu.dma_semaphore, #tpu.memory_space<semaphore_mem>>) src(%arg6 : memref<640xf32, #tpu.memory_space<hbm>>) dst(%dma_wait3A_411 : memref<640xf32, #tpu.memory_space<vmem_shared>>)
      tpu.yield
    }) : () -> ()
    %barrier3A = arith.constant 0 : index
    tpu.barrier barrier_id(%barrier3A)
    %dma_wait3A = arith.constant 0 : i32
    %dma_wait3A_78 = arith.constant 0 : i32
    %dma_wait3A_79 = tpu.memref_slice %arg11[%dma_wait3A, %dma_wait3A_78] : memref<40x128xi32, #tpu.memory_space<vmem>> -> memref<1x128xi32, #tpu.memory_space<vmem>>
    %dma_wait3A_80 = tpu.memref_squeeze %dma_wait3A_79 : memref<1x128xi32, #tpu.memory_space<vmem>> -> memref<128xi32, #tpu.memory_space<vmem>>
    %dma_wait3A_81 = arith.constant 0 : i32
    %dma_wait3A_82 = arith.constant 0 : i32
    %dma_wait3A_83 = tpu.memref_slice %arg2[%dma_wait3A_81, %dma_wait3A_82] : memref<10000x128xf32, #tpu.memory_space<hbm>> -> memref<10000x128xf32, #tpu.memory_space<hbm>>
    tpu.wait_indirect_dma semaphore(%arg16 : memref<!tpu.dma_semaphore, #tpu.memory_space<semaphore_mem>>) src(%dma_wait3A_83 : memref<10000x128xf32, #tpu.memory_space<hbm>>) dst(%arg13 : memref<128x128xf32, #tpu.memory_space<vmem>>)
    %dma_start3A_84 = arith.constant 0 : i32
    %dma_start3A_85 = arith.constant 0 : i32
    %dma_start3A_86 = tpu.memref_slice %arg12[%dma_start3A_84, %dma_start3A_85] : memref<40x128xi32, #tpu.memory_space<vmem>> -> memref<1x128xi32, #tpu.memory_space<vmem>>
    %dma_start3A_87 = tpu.memref_squeeze %dma_start3A_86 : memref<1x128xi32, #tpu.memory_space<vmem>> -> memref<128xi32, #tpu.memory_space<vmem>>
    %dma_start3A_88 = arith.constant 0 : i32
    %dma_start3A_89 = arith.constant 0 : i32
    %dma_start3A_90 = tpu.memref_slice %arg9[%dma_start3A_88, %dma_start3A_89] : memref<10112x128xf32, #tpu.memory_space<vmem_shared>> -> memref<10112x128xf32, #tpu.memory_space<vmem_shared>>
    tpu.enqueue_indirect_dma source(%arg13 : memref<128x128xf32, #tpu.memory_space<vmem>>) target(%dma_start3A_90 : memref<10112x128xf32, #tpu.memory_space<vmem_shared>>) offsets(%dma_start3A_87 : memref<128xi32, #tpu.memory_space<vmem>>) semaphore(%arg18 : memref<!tpu.dma_semaphore, #tpu.memory_space<semaphore_mem>>) {add = true}
    %dma_start3A_91 = arith.constant 0 : i32
    %dma_start3A_92 = arith.constant 0 : i32
    %dma_start3A_93 = tpu.memref_slice %arg12[%dma_start3A_91, %dma_start3A_92] : memref<40x128xi32, #tpu.memory_space<vmem>> -> memref<1x128xi32, #tpu.memory_space<vmem>>
    %dma_start3A_94 = tpu.memref_squeeze %dma_start3A_93 : memref<1x128xi32, #tpu.memory_space<vmem>> -> memref<128xi32, #tpu.memory_space<vmem>>
    %dma_start3A_95 = arith.constant 0 : i32
    %dma_start3A_96 = tpu.memref_slice %arg10[%dma_start3A_95] : memref<10240xf32, #tpu.memory_space<vmem_shared>> -> memref<10240xf32, #tpu.memory_space<vmem_shared>>
    tpu.enqueue_indirect_dma source(%arg15 : memref<128xf32, #tpu.memory_space<vmem>>) target(%dma_start3A_96 : memref<10240xf32, #tpu.memory_space<vmem_shared>>) offsets(%dma_start3A_94 : memref<128xi32, #tpu.memory_space<vmem>>) semaphore(%arg20 : memref<!tpu.dma_semaphore, #tpu.memory_space<semaphore_mem>>) {add = true}
    %dma_wait3A_97 = arith.constant 0 : i32
    %dma_wait3A_98 = arith.constant 0 : i32
    %dma_wait3A_99 = tpu.memref_slice %arg12[%dma_wait3A_97, %dma_wait3A_98] : memref<40x128xi32, #tpu.memory_space<vmem>> -> memref<1x128xi32, #tpu.memory_space<vmem>>
    %dma_wait3A_100 = tpu.memref_squeeze %dma_wait3A_99 : memref<1x128xi32, #tpu.memory_space<vmem>> -> memref<128xi32, #tpu.memory_space<vmem>>
    %dma_wait3A_101 = arith.constant 0 : i32
    %dma_wait3A_102 = arith.constant 0 : i32
    %dma_wait3A_103 = tpu.memref_slice %arg9[%dma_wait3A_101, %dma_wait3A_102] : memref<10112x128xf32, #tpu.memory_space<vmem_shared>> -> memref<10112x128xf32, #tpu.memory_space<vmem_shared>>
    tpu.wait_indirect_dma semaphore(%arg18 : memref<!tpu.dma_semaphore, #tpu.memory_space<semaphore_mem>>) src(%arg13 : memref<128x128xf32, #tpu.memory_space<vmem>>) dst(%dma_wait3A_103 : memref<10112x128xf32, #tpu.memory_space<vmem_shared>>)
    %dma_start3A_104 = arith.constant 2 : i32
    %dma_start3A_105 = arith.constant 0 : i32
    %dma_start3A_106 = tpu.memref_slice %arg11[%dma_start3A_104, %dma_start3A_105] : memref<40x128xi32, #tpu.memory_space<vmem>> -> memref<1x128xi32, #tpu.memory_space<vmem>>
    %dma_start3A_107 = tpu.memref_squeeze %dma_start3A_106 : memref<1x128xi32, #tpu.memory_space<vmem>> -> memref<128xi32, #tpu.memory_space<vmem>>
    %dma_start3A_108 = arith.constant 0 : i32
    %dma_start3A_109 = arith.constant 0 : i32
    %dma_start3A_110 = tpu.memref_slice %arg2[%dma_start3A_108, %dma_start3A_109] : memref<10000x128xf32, #tpu.memory_space<hbm>> -> memref<10000x128xf32, #tpu.memory_space<hbm>>
    tpu.enqueue_indirect_dma source(%dma_start3A_110 : memref<10000x128xf32, #tpu.memory_space<hbm>>) target(%arg13 : memref<128x128xf32, #tpu.memory_space<vmem>>) offsets(%dma_start3A_107 : memref<128xi32, #tpu.memory_space<vmem>>) semaphore(%arg16 : memref<!tpu.dma_semaphore, #tpu.memory_space<semaphore_mem>>)
    %dma_wait3A_111 = arith.constant 1 : i32
    %dma_wait3A_112 = arith.constant 0 : i32
    %dma_wait3A_113 = tpu.memref_slice %arg11[%dma_wait3A_111, %dma_wait3A_112] : memref<40x128xi32, #tpu.memory_space<vmem>> -> memref<1x128xi32, #tpu.memory_space<vmem>>
    %dma_wait3A_114 = tpu.memref_squeeze %dma_wait3A_113 : memref<1x128xi32, #tpu.memory_space<vmem>> -> memref<128xi32, #tpu.memory_space<vmem>>
    %dma_wait3A_115 = arith.constant 0 : i32
    %dma_wait3A_116 = arith.constant 0 : i32
    %dma_wait3A_117 = tpu.memref_slice %arg2[%dma_wait3A_115, %dma_wait3A_116] : memref<10000x128xf32, #tpu.memory_space<hbm>> -> memref<10000x128xf32, #tpu.memory_space<hbm>>
    tpu.wait_indirect_dma semaphore(%arg17 : memref<!tpu.dma_semaphore, #tpu.memory_space<semaphore_mem>>) src(%dma_wait3A_117 : memref<10000x128xf32, #tpu.memory_space<hbm>>) dst(%arg14 : memref<128x128xf32, #tpu.memory_space<vmem>>)
    %dma_start3A_118 = arith.constant 1 : i32
    %dma_start3A_119 = arith.constant 0 : i32
    %dma_start3A_120 = tpu.memref_slice %arg12[%dma_start3A_118, %dma_start3A_119] : memref<40x128xi32, #tpu.memory_space<vmem>> -> memref<1x128xi32, #tpu.memory_space<vmem>>
    %dma_start3A_121 = tpu.memref_squeeze %dma_start3A_120 : memref<1x128xi32, #tpu.memory_space<vmem>> -> memref<128xi32, #tpu.memory_space<vmem>>
    %dma_start3A_122 = arith.constant 0 : i32
    %dma_start3A_123 = arith.constant 0 : i32
    %dma_start3A_124 = tpu.memref_slice %arg9[%dma_start3A_122, %dma_start3A_123] : memref<10112x128xf32, #tpu.memory_space<vmem_shared>> -> memref<10112x128xf32, #tpu.memory_space<vmem_shared>>
    tpu.enqueue_indirect_dma source(%arg14 : memref<128x128xf32, #tpu.memory_space<vmem>>) target(%dma_start3A_124 : memref<10112x128xf32, #tpu.memory_space<vmem_shared>>) offsets(%dma_start3A_121 : memref<128xi32, #tpu.memory_space<vmem>>) semaphore(%arg19 : memref<!tpu.dma_semaphore, #tpu.memory_space<semaphore_mem>>) {add = true}
    %dma_start3A_125 = arith.constant 1 : i32
    %dma_start3A_126 = arith.constant 0 : i32
    %dma_start3A_127 = tpu.memref_slice %arg12[%dma_start3A_125, %dma_start3A_126] : memref<40x128xi32, #tpu.memory_space<vmem>> -> memref<1x128xi32, #tpu.memory_space<vmem>>
    %dma_start3A_128 = tpu.memref_squeeze %dma_start3A_127 : memref<1x128xi32, #tpu.memory_space<vmem>> -> memref<128xi32, #tpu.memory_space<vmem>>
    %dma_start3A_129 = arith.constant 0 : i32
    %dma_start3A_130 = tpu.memref_slice %arg10[%dma_start3A_129] : memref<10240xf32, #tpu.memory_space<vmem_shared>> -> memref<10240xf32, #tpu.memory_space<vmem_shared>>
    tpu.enqueue_indirect_dma source(%arg15 : memref<128xf32, #tpu.memory_space<vmem>>) target(%dma_start3A_130 : memref<10240xf32, #tpu.memory_space<vmem_shared>>) offsets(%dma_start3A_128 : memref<128xi32, #tpu.memory_space<vmem>>) semaphore(%arg21 : memref<!tpu.dma_semaphore, #tpu.memory_space<semaphore_mem>>) {add = true}
    %scan3A = arith.constant 0 : i32
    %scan3A_131 = arith.constant 1 : i32
    %scan3A_132 = arith.constant 18 : i32
    %scan3A_133 = arith.addi %scan3A_131, %scan3A_132 : i32
    %scan3A_134 = arith.constant 1 : i32
    %scan3A_135 = scf.for %scan3A_409 = %scan3A_131 to %scan3A_133 step %scan3A_134 iter_args(%scan3A_410 = %scan3A) -> (i32)  : i32 {
      %mul3A_411 = arith.constant 2 : i32
      %mul3A_412 = arith.muli %mul3A_411, %scan3A_409 : i32
      %sub3A = arith.constant 1 : i32
      %sub3A_413 = arith.subi %mul3A_412, %sub3A : i32
      %dma_wait3A_414 = arith.constant 0 : i32
      %dma_wait3A_415 = tpu.memref_slice %arg12[%sub3A_413, %dma_wait3A_414] : memref<40x128xi32, #tpu.memory_space<vmem>> -> memref<1x128xi32, #tpu.memory_space<vmem>>
      %dma_wait3A_416 = tpu.memref_squeeze %dma_wait3A_415 : memref<1x128xi32, #tpu.memory_space<vmem>> -> memref<128xi32, #tpu.memory_space<vmem>>
      %dma_wait3A_417 = arith.constant 0 : i32
      %dma_wait3A_418 = arith.constant 0 : i32
      %dma_wait3A_419 = tpu.memref_slice %arg9[%dma_wait3A_417, %dma_wait3A_418] : memref<10112x128xf32, #tpu.memory_space<vmem_shared>> -> memref<10112x128xf32, #tpu.memory_space<vmem_shared>>
      tpu.wait_indirect_dma semaphore(%arg19 : memref<!tpu.dma_semaphore, #tpu.memory_space<semaphore_mem>>) src(%arg14 : memref<128x128xf32, #tpu.memory_space<vmem>>) dst(%dma_wait3A_419 : memref<10112x128xf32, #tpu.memory_space<vmem_shared>>)
      %add3A_420 = arith.constant 1 : i32
      %add3A_421 = arith.addi %mul3A_412, %add3A_420 : i32
      %dma_start3A_422 = arith.constant 0 : i32
      %dma_start3A_423 = tpu.memref_slice %arg11[%add3A_421, %dma_start3A_422] : memref<40x128xi32, #tpu.memory_space<vmem>> -> memref<1x128xi32, #tpu.memory_space<vmem>>
      %dma_start3A_424 = tpu.memref_squeeze %dma_start3A_423 : memref<1x128xi32, #tpu.memory_space<vmem>> -> memref<128xi32, #tpu.memory_space<vmem>>
      %dma_start3A_425 = arith.constant 0 : i32
      %dma_start3A_426 = arith.constant 0 : i32
      %dma_start3A_427 = tpu.memref_slice %arg2[%dma_start3A_425, %dma_start3A_426] : memref<10000x128xf32, #tpu.memory_space<hbm>> -> memref<10000x128xf32, #tpu.memory_space<hbm>>
      tpu.enqueue_indirect_dma source(%dma_start3A_427 : memref<10000x128xf32, #tpu.memory_space<hbm>>) target(%arg14 : memref<128x128xf32, #tpu.memory_space<vmem>>) offsets(%dma_start3A_424 : memref<128xi32, #tpu.memory_space<vmem>>) semaphore(%arg17 : memref<!tpu.dma_semaphore, #tpu.memory_space<semaphore_mem>>)
      %sub3A_428 = arith.constant 2 : i32
      %sub3A_429 = arith.subi %mul3A_412, %sub3A_428 : i32
      %dma_wait3A_430 = arith.constant 0 : i32
      %dma_wait3A_431 = tpu.memref_slice %arg12[%sub3A_429, %dma_wait3A_430] : memref<40x128xi32, #tpu.memory_space<vmem>> -> memref<1x128xi32, #tpu.memory_space<vmem>>
      %dma_wait3A_432 = tpu.memref_squeeze %dma_wait3A_431 : memref<1x128xi32, #tpu.memory_space<vmem>> -> memref<128xi32, #tpu.memory_space<vmem>>
      %dma_wait3A_433 = arith.constant 0 : i32
      %dma_wait3A_434 = tpu.memref_slice %arg10[%dma_wait3A_433] : memref<10240xf32, #tpu.memory_space<vmem_shared>> -> memref<10240xf32, #tpu.memory_space<vmem_shared>>
      tpu.wait_indirect_dma semaphore(%arg20 : memref<!tpu.dma_semaphore, #tpu.memory_space<semaphore_mem>>) src(%arg15 : memref<128xf32, #tpu.memory_space<vmem>>) dst(%dma_wait3A_434 : memref<10240xf32, #tpu.memory_space<vmem_shared>>)
      %dma_wait3A_435 = arith.constant 0 : i32
      %dma_wait3A_436 = tpu.memref_slice %arg11[%mul3A_412, %dma_wait3A_435] : memref<40x128xi32, #tpu.memory_space<vmem>> -> memref<1x128xi32, #tpu.memory_space<vmem>>
      %dma_wait3A_437 = tpu.memref_squeeze %dma_wait3A_436 : memref<1x128xi32, #tpu.memory_space<vmem>> -> memref<128xi32, #tpu.memory_space<vmem>>
      %dma_wait3A_438 = arith.constant 0 : i32
      %dma_wait3A_439 = arith.constant 0 : i32
      %dma_wait3A_440 = tpu.memref_slice %arg2[%dma_wait3A_438, %dma_wait3A_439] : memref<10000x128xf32, #tpu.memory_space<hbm>> -> memref<10000x128xf32, #tpu.memory_space<hbm>>
      tpu.wait_indirect_dma semaphore(%arg16 : memref<!tpu.dma_semaphore, #tpu.memory_space<semaphore_mem>>) src(%dma_wait3A_440 : memref<10000x128xf32, #tpu.memory_space<hbm>>) dst(%arg13 : memref<128x128xf32, #tpu.memory_space<vmem>>)
      %dma_start3A_441 = arith.constant 0 : i32
      %dma_start3A_442 = tpu.memref_slice %arg12[%mul3A_412, %dma_start3A_441] : memref<40x128xi32, #tpu.memory_space<vmem>> -> memref<1x128xi32, #tpu.memory_space<vmem>>
      %dma_start3A_443 = tpu.memref_squeeze %dma_start3A_442 : memref<1x128xi32, #tpu.memory_space<vmem>> -> memref<128xi32, #tpu.memory_space<vmem>>
      %dma_start3A_444 = arith.constant 0 : i32
      %dma_start3A_445 = arith.constant 0 : i32
      %dma_start3A_446 = tpu.memref_slice %arg9[%dma_start3A_444, %dma_start3A_445] : memref<10112x128xf32, #tpu.memory_space<vmem_shared>> -> memref<10112x128xf32, #tpu.memory_space<vmem_shared>>
      tpu.enqueue_indirect_dma source(%arg13 : memref<128x128xf32, #tpu.memory_space<vmem>>) target(%dma_start3A_446 : memref<10112x128xf32, #tpu.memory_space<vmem_shared>>) offsets(%dma_start3A_443 : memref<128xi32, #tpu.memory_space<vmem>>) semaphore(%arg18 : memref<!tpu.dma_semaphore, #tpu.memory_space<semaphore_mem>>) {add = true}
      %dma_start3A_447 = arith.constant 0 : i32
      %dma_start3A_448 = tpu.memref_slice %arg12[%mul3A_412, %dma_start3A_447] : memref<40x128xi32, #tpu.memory_space<vmem>> -> memref<1x128xi32, #tpu.memory_space<vmem>>
      %dma_start3A_449 = tpu.memref_squeeze %dma_start3A_448 : memref<1x128xi32, #tpu.memory_space<vmem>> -> memref<128xi32, #tpu.memory_space<vmem>>
      %dma_start3A_450 = arith.constant 0 : i32
      %dma_start3A_451 = tpu.memref_slice %arg10[%dma_start3A_450] : memref<10240xf32, #tpu.memory_space<vmem_shared>> -> memref<10240xf32, #tpu.memory_space<vmem_shared>>
      tpu.enqueue_indirect_dma source(%arg15 : memref<128xf32, #tpu.memory_space<vmem>>) target(%dma_start3A_451 : memref<10240xf32, #tpu.memory_space<vmem_shared>>) offsets(%dma_start3A_449 : memref<128xi32, #tpu.memory_space<vmem>>) semaphore(%arg20 : memref<!tpu.dma_semaphore, #tpu.memory_space<semaphore_mem>>) {add = true}
      %mul3A_452 = arith.constant 2 : i32
      %mul3A_453 = arith.muli %mul3A_452, %scan3A_409 : i32
      %add3A_454 = arith.constant 1 : i32
      %add3A_455 = arith.addi %mul3A_453, %add3A_454 : i32
      %sub3A_456 = arith.constant 1 : i32
      %sub3A_457 = arith.subi %add3A_455, %sub3A_456 : i32
      %dma_wait3A_458 = arith.constant 0 : i32
      %dma_wait3A_459 = tpu.memref_slice %arg12[%sub3A_457, %dma_wait3A_458] : memref<40x128xi32, #tpu.memory_space<vmem>> -> memref<1x128xi32, #tpu.memory_space<vmem>>
      %dma_wait3A_460 = tpu.memref_squeeze %dma_wait3A_459 : memref<1x128xi32, #tpu.memory_space<vmem>> -> memref<128xi32, #tpu.memory_space<vmem>>
      %dma_wait3A_461 = arith.constant 0 : i32
      %dma_wait3A_462 = arith.constant 0 : i32
      %dma_wait3A_463 = tpu.memref_slice %arg9[%dma_wait3A_461, %dma_wait3A_462] : memref<10112x128xf32, #tpu.memory_space<vmem_shared>> -> memref<10112x128xf32, #tpu.memory_space<vmem_shared>>
      tpu.wait_indirect_dma semaphore(%arg18 : memref<!tpu.dma_semaphore, #tpu.memory_space<semaphore_mem>>) src(%arg13 : memref<128x128xf32, #tpu.memory_space<vmem>>) dst(%dma_wait3A_463 : memref<10112x128xf32, #tpu.memory_space<vmem_shared>>)
      %add3A_464 = arith.constant 1 : i32
      %add3A_465 = arith.addi %add3A_455, %add3A_464 : i32
      %dma_start3A_466 = arith.constant 0 : i32
      %dma_start3A_467 = tpu.memref_slice %arg11[%add3A_465, %dma_start3A_466] : memref<40x128xi32, #tpu.memory_space<vmem>> -> memref<1x128xi32, #tpu.memory_space<vmem>>
      %dma_start3A_468 = tpu.memref_squeeze %dma_start3A_467 : memref<1x128xi32, #tpu.memory_space<vmem>> -> memref<128xi32, #tpu.memory_space<vmem>>
      %dma_start3A_469 = arith.constant 0 : i32
      %dma_start3A_470 = arith.constant 0 : i32
      %dma_start3A_471 = tpu.memref_slice %arg2[%dma_start3A_469, %dma_start3A_470] : memref<10000x128xf32, #tpu.memory_space<hbm>> -> memref<10000x128xf32, #tpu.memory_space<hbm>>
      tpu.enqueue_indirect_dma source(%dma_start3A_471 : memref<10000x128xf32, #tpu.memory_space<hbm>>) target(%arg13 : memref<128x128xf32, #tpu.memory_space<vmem>>) offsets(%dma_start3A_468 : memref<128xi32, #tpu.memory_space<vmem>>) semaphore(%arg16 : memref<!tpu.dma_semaphore, #tpu.memory_space<semaphore_mem>>)
      %sub3A_472 = arith.constant 2 : i32
      %sub3A_473 = arith.subi %add3A_455, %sub3A_472 : i32
      %dma_wait3A_474 = arith.constant 0 : i32
      %dma_wait3A_475 = tpu.memref_slice %arg12[%sub3A_473, %dma_wait3A_474] : memref<40x128xi32, #tpu.memory_space<vmem>> -> memref<1x128xi32, #tpu.memory_space<vmem>>
      %dma_wait3A_476 = tpu.memref_squeeze %dma_wait3A_475 : memref<1x128xi32, #tpu.memory_space<vmem>> -> memref<128xi32, #tpu.memory_space<vmem>>
      %dma_wait3A_477 = arith.constant 0 : i32
      %dma_wait3A_478 = tpu.memref_slice %arg10[%dma_wait3A_477] : memref<10240xf32, #tpu.memory_space<vmem_shared>> -> memref<10240xf32, #tpu.memory_space<vmem_shared>>
      tpu.wait_indirect_dma semaphore(%arg21 : memref<!tpu.dma_semaphore, #tpu.memory_space<semaphore_mem>>) src(%arg15 : memref<128xf32, #tpu.memory_space<vmem>>) dst(%dma_wait3A_478 : memref<10240xf32, #tpu.memory_space<vmem_shared>>)
      %dma_wait3A_479 = arith.constant 0 : i32
      %dma_wait3A_480 = tpu.memref_slice %arg11[%add3A_455, %dma_wait3A_479] : memref<40x128xi32, #tpu.memory_space<vmem>> -> memref<1x128xi32, #tpu.memory_space<vmem>>
      %dma_wait3A_481 = tpu.memref_squeeze %dma_wait3A_480 : memref<1x128xi32, #tpu.memory_space<vmem>> -> memref<128xi32, #tpu.memory_space<vmem>>
      %dma_wait3A_482 = arith.constant 0 : i32
      %dma_wait3A_483 = arith.constant 0 : i32
      %dma_wait3A_484 = tpu.memref_slice %arg2[%dma_wait3A_482, %dma_wait3A_483] : memref<10000x128xf32, #tpu.memory_space<hbm>> -> memref<10000x128xf32, #tpu.memory_space<hbm>>
      tpu.wait_indirect_dma semaphore(%arg17 : memref<!tpu.dma_semaphore, #tpu.memory_space<semaphore_mem>>) src(%dma_wait3A_484 : memref<10000x128xf32, #tpu.memory_space<hbm>>) dst(%arg14 : memref<128x128xf32, #tpu.memory_space<vmem>>)
      %dma_start3A_485 = arith.constant 0 : i32
      %dma_start3A_486 = tpu.memref_slice %arg12[%add3A_455, %dma_start3A_485] : memref<40x128xi32, #tpu.memory_space<vmem>> -> memref<1x128xi32, #tpu.memory_space<vmem>>
      %dma_start3A_487 = tpu.memref_squeeze %dma_start3A_486 : memref<1x128xi32, #tpu.memory_space<vmem>> -> memref<128xi32, #tpu.memory_space<vmem>>
      %dma_start3A_488 = arith.constant 0 : i32
      %dma_start3A_489 = arith.constant 0 : i32
      %dma_start3A_490 = tpu.memref_slice %arg9[%dma_start3A_488, %dma_start3A_489] : memref<10112x128xf32, #tpu.memory_space<vmem_shared>> -> memref<10112x128xf32, #tpu.memory_space<vmem_shared>>
      tpu.enqueue_indirect_dma source(%arg14 : memref<128x128xf32, #tpu.memory_space<vmem>>) target(%dma_start3A_490 : memref<10112x128xf32, #tpu.memory_space<vmem_shared>>) offsets(%dma_start3A_487 : memref<128xi32, #tpu.memory_space<vmem>>) semaphore(%arg19 : memref<!tpu.dma_semaphore, #tpu.memory_space<semaphore_mem>>) {add = true}
      %dma_start3A_491 = arith.constant 0 : i32
      %dma_start3A_492 = tpu.memref_slice %arg12[%add3A_455, %dma_start3A_491] : memref<40x128xi32, #tpu.memory_space<vmem>> -> memref<1x128xi32, #tpu.memory_space<vmem>>
      %dma_start3A_493 = tpu.memref_squeeze %dma_start3A_492 : memref<1x128xi32, #tpu.memory_space<vmem>> -> memref<128xi32, #tpu.memory_space<vmem>>
      %dma_start3A_494 = arith.constant 0 : i32
      %dma_start3A_495 = tpu.memref_slice %arg10[%dma_start3A_494] : memref<10240xf32, #tpu.memory_space<vmem_shared>> -> memref<10240xf32, #tpu.memory_space<vmem_shared>>
      tpu.enqueue_indirect_dma source(%arg15 : memref<128xf32, #tpu.memory_space<vmem>>) target(%dma_start3A_495 : memref<10240xf32, #tpu.memory_space<vmem_shared>>) offsets(%dma_start3A_493 : memref<128xi32, #tpu.memory_space<vmem>>) semaphore(%arg21 : memref<!tpu.dma_semaphore, #tpu.memory_space<semaphore_mem>>) {add = true}
      %scan3A_496 = arith.constant 0 : i32
      scf.yield %scan3A_496 : i32
    }
    %scan3A_136 = arith.constant 18 : i32
    %dma_wait3A_137 = arith.constant 37 : i32
    %dma_wait3A_138 = arith.constant 0 : i32
    %dma_wait3A_139 = tpu.memref_slice %arg12[%dma_wait3A_137, %dma_wait3A_138] : memref<40x128xi32, #tpu.memory_space<vmem>> -> memref<1x128xi32, #tpu.memory_space<vmem>>
    %dma_wait3A_140 = tpu.memref_squeeze %dma_wait3A_139 : memref<1x128xi32, #tpu.memory_space<vmem>> -> memref<128xi32, #tpu.memory_space<vmem>>
    %dma_wait3A_141 = arith.constant 0 : i32
    %dma_wait3A_142 = arith.constant 0 : i32
    %dma_wait3A_143 = tpu.memref_slice %arg9[%dma_wait3A_141, %dma_wait3A_142] : memref<10112x128xf32, #tpu.memory_space<vmem_shared>> -> memref<10112x128xf32, #tpu.memory_space<vmem_shared>>
    tpu.wait_indirect_dma semaphore(%arg19 : memref<!tpu.dma_semaphore, #tpu.memory_space<semaphore_mem>>) src(%arg14 : memref<128x128xf32, #tpu.memory_space<vmem>>) dst(%dma_wait3A_143 : memref<10112x128xf32, #tpu.memory_space<vmem_shared>>)
    %dma_start3A_144 = arith.constant 39 : i32
    %dma_start3A_145 = arith.constant 0 : i32
    %dma_start3A_146 = tpu.memref_slice %arg11[%dma_start3A_144, %dma_start3A_145] : memref<40x128xi32, #tpu.memory_space<vmem>> -> memref<1x128xi32, #tpu.memory_space<vmem>>
    %dma_start3A_147 = tpu.memref_squeeze %dma_start3A_146 : memref<1x128xi32, #tpu.memory_space<vmem>> -> memref<128xi32, #tpu.memory_space<vmem>>
    %dma_start3A_148 = arith.constant 0 : i32
    %dma_start3A_149 = arith.constant 0 : i32
    %dma_start3A_150 = tpu.memref_slice %arg2[%dma_start3A_148, %dma_start3A_149] : memref<10000x128xf32, #tpu.memory_space<hbm>> -> memref<10000x128xf32, #tpu.memory_space<hbm>>
    tpu.enqueue_indirect_dma source(%dma_start3A_150 : memref<10000x128xf32, #tpu.memory_space<hbm>>) target(%arg14 : memref<128x128xf32, #tpu.memory_space<vmem>>) offsets(%dma_start3A_147 : memref<128xi32, #tpu.memory_space<vmem>>) semaphore(%arg17 : memref<!tpu.dma_semaphore, #tpu.memory_space<semaphore_mem>>)
    %dma_wait3A_151 = arith.constant 36 : i32
    %dma_wait3A_152 = arith.constant 0 : i32
    %dma_wait3A_153 = tpu.memref_slice %arg12[%dma_wait3A_151, %dma_wait3A_152] : memref<40x128xi32, #tpu.memory_space<vmem>> -> memref<1x128xi32, #tpu.memory_space<vmem>>
    %dma_wait3A_154 = tpu.memref_squeeze %dma_wait3A_153 : memref<1x128xi32, #tpu.memory_space<vmem>> -> memref<128xi32, #tpu.memory_space<vmem>>
    %dma_wait3A_155 = arith.constant 0 : i32
    %dma_wait3A_156 = tpu.memref_slice %arg10[%dma_wait3A_155] : memref<10240xf32, #tpu.memory_space<vmem_shared>> -> memref<10240xf32, #tpu.memory_space<vmem_shared>>
    tpu.wait_indirect_dma semaphore(%arg20 : memref<!tpu.dma_semaphore, #tpu.memory_space<semaphore_mem>>) src(%arg15 : memref<128xf32, #tpu.memory_space<vmem>>) dst(%dma_wait3A_156 : memref<10240xf32, #tpu.memory_space<vmem_shared>>)
    %dma_wait3A_157 = arith.constant 38 : i32
    %dma_wait3A_158 = arith.constant 0 : i32
    %dma_wait3A_159 = tpu.memref_slice %arg11[%dma_wait3A_157, %dma_wait3A_158] : memref<40x128xi32, #tpu.memory_space<vmem>> -> memref<1x128xi32, #tpu.memory_space<vmem>>
    %dma_wait3A_160 = tpu.memref_squeeze %dma_wait3A_159 : memref<1x128xi32, #tpu.memory_space<vmem>> -> memref<128xi32, #tpu.memory_space<vmem>>
    %dma_wait3A_161 = arith.constant 0 : i32
    %dma_wait3A_162 = arith.constant 0 : i32
    %dma_wait3A_163 = tpu.memref_slice %arg2[%dma_wait3A_161, %dma_wait3A_162] : memref<10000x128xf32, #tpu.memory_space<hbm>> -> memref<10000x128xf32, #tpu.memory_space<hbm>>
    tpu.wait_indirect_dma semaphore(%arg16 : memref<!tpu.dma_semaphore, #tpu.memory_space<semaphore_mem>>) src(%dma_wait3A_163 : memref<10000x128xf32, #tpu.memory_space<hbm>>) dst(%arg13 : memref<128x128xf32, #tpu.memory_space<vmem>>)
    %dma_start3A_164 = arith.constant 38 : i32
    %dma_start3A_165 = arith.constant 0 : i32
    %dma_start3A_166 = tpu.memref_slice %arg12[%dma_start3A_164, %dma_start3A_165] : memref<40x128xi32, #tpu.memory_space<vmem>> -> memref<1x128xi32, #tpu.memory_space<vmem>>
    %dma_start3A_167 = tpu.memref_squeeze %dma_start3A_166 : memref<1x128xi32, #tpu.memory_space<vmem>> -> memref<128xi32, #tpu.memory_space<vmem>>
    %dma_start3A_168 = arith.constant 0 : i32
    %dma_start3A_169 = arith.constant 0 : i32
    %dma_start3A_170 = tpu.memref_slice %arg9[%dma_start3A_168, %dma_start3A_169] : memref<10112x128xf32, #tpu.memory_space<vmem_shared>> -> memref<10112x128xf32, #tpu.memory_space<vmem_shared>>
    tpu.enqueue_indirect_dma source(%arg13 : memref<128x128xf32, #tpu.memory_space<vmem>>) target(%dma_start3A_170 : memref<10112x128xf32, #tpu.memory_space<vmem_shared>>) offsets(%dma_start3A_167 : memref<128xi32, #tpu.memory_space<vmem>>) semaphore(%arg18 : memref<!tpu.dma_semaphore, #tpu.memory_space<semaphore_mem>>) {add = true}
    %dma_start3A_171 = arith.constant 38 : i32
    %dma_start3A_172 = arith.constant 0 : i32
    %dma_start3A_173 = tpu.memref_slice %arg12[%dma_start3A_171, %dma_start3A_172] : memref<40x128xi32, #tpu.memory_space<vmem>> -> memref<1x128xi32, #tpu.memory_space<vmem>>
    %dma_start3A_174 = tpu.memref_squeeze %dma_start3A_173 : memref<1x128xi32, #tpu.memory_space<vmem>> -> memref<128xi32, #tpu.memory_space<vmem>>
    %dma_start3A_175 = arith.constant 0 : i32
    %dma_start3A_176 = tpu.memref_slice %arg10[%dma_start3A_175] : memref<10240xf32, #tpu.memory_space<vmem_shared>> -> memref<10240xf32, #tpu.memory_space<vmem_shared>>
    tpu.enqueue_indirect_dma source(%arg15 : memref<128xf32, #tpu.memory_space<vmem>>) target(%dma_start3A_176 : memref<10240xf32, #tpu.memory_space<vmem_shared>>) offsets(%dma_start3A_174 : memref<128xi32, #tpu.memory_space<vmem>>) semaphore(%arg20 : memref<!tpu.dma_semaphore, #tpu.memory_space<semaphore_mem>>) {add = true}
    %dma_wait3A_177 = arith.constant 38 : i32
    %dma_wait3A_178 = arith.constant 0 : i32
    %dma_wait3A_179 = tpu.memref_slice %arg12[%dma_wait3A_177, %dma_wait3A_178] : memref<40x128xi32, #tpu.memory_space<vmem>> -> memref<1x128xi32, #tpu.memory_space<vmem>>
    %dma_wait3A_180 = tpu.memref_squeeze %dma_wait3A_179 : memref<1x128xi32, #tpu.memory_space<vmem>> -> memref<128xi32, #tpu.memory_space<vmem>>
    %dma_wait3A_181 = arith.constant 0 : i32
    %dma_wait3A_182 = arith.constant 0 : i32
    %dma_wait3A_183 = tpu.memref_slice %arg9[%dma_wait3A_181, %dma_wait3A_182] : memref<10112x128xf32, #tpu.memory_space<vmem_shared>> -> memref<10112x128xf32, #tpu.memory_space<vmem_shared>>
    tpu.wait_indirect_dma semaphore(%arg18 : memref<!tpu.dma_semaphore, #tpu.memory_space<semaphore_mem>>) src(%arg13 : memref<128x128xf32, #tpu.memory_space<vmem>>) dst(%dma_wait3A_183 : memref<10112x128xf32, #tpu.memory_space<vmem_shared>>)
    %dma_wait3A_184 = arith.constant 37 : i32
    %dma_wait3A_185 = arith.constant 0 : i32
    %dma_wait3A_186 = tpu.memref_slice %arg12[%dma_wait3A_184, %dma_wait3A_185] : memref<40x128xi32, #tpu.memory_space<vmem>> -> memref<1x128xi32, #tpu.memory_space<vmem>>
    %dma_wait3A_187 = tpu.memref_squeeze %dma_wait3A_186 : memref<1x128xi32, #tpu.memory_space<vmem>> -> memref<128xi32, #tpu.memory_space<vmem>>
    %dma_wait3A_188 = arith.constant 0 : i32
    %dma_wait3A_189 = tpu.memref_slice %arg10[%dma_wait3A_188] : memref<10240xf32, #tpu.memory_space<vmem_shared>> -> memref<10240xf32, #tpu.memory_space<vmem_shared>>
    tpu.wait_indirect_dma semaphore(%arg21 : memref<!tpu.dma_semaphore, #tpu.memory_space<semaphore_mem>>) src(%arg15 : memref<128xf32, #tpu.memory_space<vmem>>) dst(%dma_wait3A_189 : memref<10240xf32, #tpu.memory_space<vmem_shared>>)
    %dma_wait3A_190 = arith.constant 39 : i32
    %dma_wait3A_191 = arith.constant 0 : i32
    %dma_wait3A_192 = tpu.memref_slice %arg11[%dma_wait3A_190, %dma_wait3A_191] : memref<40x128xi32, #tpu.memory_space<vmem>> -> memref<1x128xi32, #tpu.memory_space<vmem>>
    %dma_wait3A_193 = tpu.memref_squeeze %dma_wait3A_192 : memref<1x128xi32, #tpu.memory_space<vmem>> -> memref<128xi32, #tpu.memory_space<vmem>>
    %dma_wait3A_194 = arith.constant 0 : i32
    %dma_wait3A_195 = arith.constant 0 : i32
    %dma_wait3A_196 = tpu.memref_slice %arg2[%dma_wait3A_194, %dma_wait3A_195] : memref<10000x128xf32, #tpu.memory_space<hbm>> -> memref<10000x128xf32, #tpu.memory_space<hbm>>
    tpu.wait_indirect_dma semaphore(%arg17 : memref<!tpu.dma_semaphore, #tpu.memory_space<semaphore_mem>>) src(%dma_wait3A_196 : memref<10000x128xf32, #tpu.memory_space<hbm>>) dst(%arg14 : memref<128x128xf32, #tpu.memory_space<vmem>>)
    %dma_start3A_197 = arith.constant 39 : i32
    %dma_start3A_198 = arith.constant 0 : i32
    %dma_start3A_199 = tpu.memref_slice %arg12[%dma_start3A_197, %dma_start3A_198] : memref<40x128xi32, #tpu.memory_space<vmem>> -> memref<1x128xi32, #tpu.memory_space<vmem>>
    %dma_start3A_200 = tpu.memref_squeeze %dma_start3A_199 : memref<1x128xi32, #tpu.memory_space<vmem>> -> memref<128xi32, #tpu.memory_space<vmem>>
    %dma_start3A_201 = arith.constant 0 : i32
    %dma_start3A_202 = arith.constant 0 : i32
    %dma_start3A_203 = tpu.memref_slice %arg9[%dma_start3A_201, %dma_start3A_202] : memref<10112x128xf32, #tpu.memory_space<vmem_shared>> -> memref<10112x128xf32, #tpu.memory_space<vmem_shared>>
    tpu.enqueue_indirect_dma source(%arg14 : memref<128x128xf32, #tpu.memory_space<vmem>>) target(%dma_start3A_203 : memref<10112x128xf32, #tpu.memory_space<vmem_shared>>) offsets(%dma_start3A_200 : memref<128xi32, #tpu.memory_space<vmem>>) semaphore(%arg19 : memref<!tpu.dma_semaphore, #tpu.memory_space<semaphore_mem>>) {add = true}
    %dma_start3A_204 = arith.constant 39 : i32
    %dma_start3A_205 = arith.constant 0 : i32
    %dma_start3A_206 = tpu.memref_slice %arg12[%dma_start3A_204, %dma_start3A_205] : memref<40x128xi32, #tpu.memory_space<vmem>> -> memref<1x128xi32, #tpu.memory_space<vmem>>
    %dma_start3A_207 = tpu.memref_squeeze %dma_start3A_206 : memref<1x128xi32, #tpu.memory_space<vmem>> -> memref<128xi32, #tpu.memory_space<vmem>>
    %dma_start3A_208 = arith.constant 0 : i32
    %dma_start3A_209 = tpu.memref_slice %arg10[%dma_start3A_208] : memref<10240xf32, #tpu.memory_space<vmem_shared>> -> memref<10240xf32, #tpu.memory_space<vmem_shared>>
    tpu.enqueue_indirect_dma source(%arg15 : memref<128xf32, #tpu.memory_space<vmem>>) target(%dma_start3A_209 : memref<10240xf32, #tpu.memory_space<vmem_shared>>) offsets(%dma_start3A_207 : memref<128xi32, #tpu.memory_space<vmem>>) semaphore(%arg21 : memref<!tpu.dma_semaphore, #tpu.memory_space<semaphore_mem>>) {add = true}
    %dma_wait3A_210 = arith.constant 39 : i32
    %dma_wait3A_211 = arith.constant 0 : i32
    %dma_wait3A_212 = tpu.memref_slice %arg12[%dma_wait3A_210, %dma_wait3A_211] : memref<40x128xi32, #tpu.memory_space<vmem>> -> memref<1x128xi32, #tpu.memory_space<vmem>>
    %dma_wait3A_213 = tpu.memref_squeeze %dma_wait3A_212 : memref<1x128xi32, #tpu.memory_space<vmem>> -> memref<128xi32, #tpu.memory_space<vmem>>
    %dma_wait3A_214 = arith.constant 0 : i32
    %dma_wait3A_215 = arith.constant 0 : i32
    %dma_wait3A_216 = tpu.memref_slice %arg9[%dma_wait3A_214, %dma_wait3A_215] : memref<10112x128xf32, #tpu.memory_space<vmem_shared>> -> memref<10112x128xf32, #tpu.memory_space<vmem_shared>>
    tpu.wait_indirect_dma semaphore(%arg19 : memref<!tpu.dma_semaphore, #tpu.memory_space<semaphore_mem>>) src(%arg14 : memref<128x128xf32, #tpu.memory_space<vmem>>) dst(%dma_wait3A_216 : memref<10112x128xf32, #tpu.memory_space<vmem_shared>>)
    %dma_wait3A_217 = arith.constant 38 : i32
    %dma_wait3A_218 = arith.constant 0 : i32
    %dma_wait3A_219 = tpu.memref_slice %arg12[%dma_wait3A_217, %dma_wait3A_218] : memref<40x128xi32, #tpu.memory_space<vmem>> -> memref<1x128xi32, #tpu.memory_space<vmem>>
    %dma_wait3A_220 = tpu.memref_squeeze %dma_wait3A_219 : memref<1x128xi32, #tpu.memory_space<vmem>> -> memref<128xi32, #tpu.memory_space<vmem>>
    %dma_wait3A_221 = arith.constant 0 : i32
    %dma_wait3A_222 = tpu.memref_slice %arg10[%dma_wait3A_221] : memref<10240xf32, #tpu.memory_space<vmem_shared>> -> memref<10240xf32, #tpu.memory_space<vmem_shared>>
    tpu.wait_indirect_dma semaphore(%arg20 : memref<!tpu.dma_semaphore, #tpu.memory_space<semaphore_mem>>) src(%arg15 : memref<128xf32, #tpu.memory_space<vmem>>) dst(%dma_wait3A_222 : memref<10240xf32, #tpu.memory_space<vmem_shared>>)
    %dma_wait3A_223 = arith.constant 39 : i32
    %dma_wait3A_224 = arith.constant 0 : i32
    %dma_wait3A_225 = tpu.memref_slice %arg12[%dma_wait3A_223, %dma_wait3A_224] : memref<40x128xi32, #tpu.memory_space<vmem>> -> memref<1x128xi32, #tpu.memory_space<vmem>>
    %dma_wait3A_226 = tpu.memref_squeeze %dma_wait3A_225 : memref<1x128xi32, #tpu.memory_space<vmem>> -> memref<128xi32, #tpu.memory_space<vmem>>
    %dma_wait3A_227 = arith.constant 0 : i32
    %dma_wait3A_228 = tpu.memref_slice %arg10[%dma_wait3A_227] : memref<10240xf32, #tpu.memory_space<vmem_shared>> -> memref<10240xf32, #tpu.memory_space<vmem_shared>>
    tpu.wait_indirect_dma semaphore(%arg21 : memref<!tpu.dma_semaphore, #tpu.memory_space<semaphore_mem>>) src(%arg15 : memref<128xf32, #tpu.memory_space<vmem>>) dst(%dma_wait3A_228 : memref<10240xf32, #tpu.memory_space<vmem_shared>>)
    %mul3A_229 = arith.constant 80 : i32
    %mul3A_230 = arith.muli %add3A, %mul3A_229 : i32
    %add3A_231 = arith.constant 40 : i32
    %add3A_232 = arith.addi %mul3A_230, %add3A_231 : i32
    "tpu.region"() ({
      %run_scoped3A_409 = tpu.sem_alloc : memref<!tpu.dma_semaphore, #tpu.memory_space<semaphore_mem>>
      %dma_start3A_410 = arith.constant 0 : i32
      %dma_start3A_411 = tpu.memref_slice %arg3[%add3A_232, %dma_start3A_410] : memref<2560x128xi32, #tpu.memory_space<hbm>> -> memref<40x128xi32, #tpu.memory_space<hbm>>
      %dma_start3A_412 = arith.constant 0 : i32
      %dma_start3A_413 = tpu.memref_slice %arg3[%add3A_232, %dma_start3A_412] : memref<2560x128xi32, #tpu.memory_space<hbm>> -> memref<40x128xi32, #tpu.memory_space<hbm>>
      tpu.enqueue_dma source(%dma_start3A_413 : memref<40x128xi32, #tpu.memory_space<hbm>>) target(%arg11 : memref<40x128xi32, #tpu.memory_space<vmem>>) target_semaphore(%run_scoped3A_409 : memref<!tpu.dma_semaphore, #tpu.memory_space<semaphore_mem>>)
      %dma_wait3A_414 = arith.constant 0 : i32
      %dma_wait3A_415 = tpu.memref_slice %arg3[%add3A_232, %dma_wait3A_414] : memref<2560x128xi32, #tpu.memory_space<hbm>> -> memref<40x128xi32, #tpu.memory_space<hbm>>
      %dma_wait3A_416 = arith.constant 0 : i32
      %dma_wait3A_417 = tpu.memref_slice %arg3[%add3A_232, %dma_wait3A_416] : memref<2560x128xi32, #tpu.memory_space<hbm>> -> memref<40x128xi32, #tpu.memory_space<hbm>>
      tpu.wait_dma2 semaphore(%run_scoped3A_409 : memref<!tpu.dma_semaphore, #tpu.memory_space<semaphore_mem>>) src(%dma_wait3A_417 : memref<40x128xi32, #tpu.memory_space<hbm>>) dst(%arg11 : memref<40x128xi32, #tpu.memory_space<vmem>>)
      tpu.yield
    }) : () -> ()
    %mul3A_233 = arith.constant 80 : i32
    %mul3A_234 = arith.muli %add3A, %mul3A_233 : i32
    %add3A_235 = arith.constant 40 : i32
    %add3A_236 = arith.addi %mul3A_234, %add3A_235 : i32
    "tpu.region"() ({
      %run_scoped3A_409 = tpu.sem_alloc : memref<!tpu.dma_semaphore, #tpu.memory_space<semaphore_mem>>
      %dma_start3A_410 = arith.constant 0 : i32
      %dma_start3A_411 = tpu.memref_slice %arg4[%add3A_236, %dma_start3A_410] : memref<2560x128xi32, #tpu.memory_space<hbm>> -> memref<40x128xi32, #tpu.memory_space<hbm>>
      %dma_start3A_412 = arith.constant 0 : i32
      %dma_start3A_413 = tpu.memref_slice %arg4[%add3A_236, %dma_start3A_412] : memref<2560x128xi32, #tpu.memory_space<hbm>> -> memref<40x128xi32, #tpu.memory_space<hbm>>
      tpu.enqueue_dma source(%dma_start3A_413 : memref<40x128xi32, #tpu.memory_space<hbm>>) target(%arg12 : memref<40x128xi32, #tpu.memory_space<vmem>>) target_semaphore(%run_scoped3A_409 : memref<!tpu.dma_semaphore, #tpu.memory_space<semaphore_mem>>)
      %dma_wait3A_414 = arith.constant 0 : i32
      %dma_wait3A_415 = tpu.memref_slice %arg4[%add3A_236, %dma_wait3A_414] : memref<2560x128xi32, #tpu.memory_space<hbm>> -> memref<40x128xi32, #tpu.memory_space<hbm>>
      %dma_wait3A_416 = arith.constant 0 : i32
      %dma_wait3A_417 = tpu.memref_slice %arg4[%add3A_236, %dma_wait3A_416] : memref<2560x128xi32, #tpu.memory_space<hbm>> -> memref<40x128xi32, #tpu.memory_space<hbm>>
      tpu.wait_dma2 semaphore(%run_scoped3A_409 : memref<!tpu.dma_semaphore, #tpu.memory_space<semaphore_mem>>) src(%dma_wait3A_417 : memref<40x128xi32, #tpu.memory_space<hbm>>) dst(%arg12 : memref<40x128xi32, #tpu.memory_space<vmem>>)
      tpu.yield
    }) : () -> ()
    %dma_start3A_237 = arith.constant 0 : i32
    %dma_start3A_238 = arith.constant 0 : i32
    %dma_start3A_239 = tpu.memref_slice %arg11[%dma_start3A_237, %dma_start3A_238] : memref<40x128xi32, #tpu.memory_space<vmem>> -> memref<1x128xi32, #tpu.memory_space<vmem>>
    %dma_start3A_240 = tpu.memref_squeeze %dma_start3A_239 : memref<1x128xi32, #tpu.memory_space<vmem>> -> memref<128xi32, #tpu.memory_space<vmem>>
    %dma_start3A_241 = arith.constant 0 : i32
    %dma_start3A_242 = arith.constant 0 : i32
    %dma_start3A_243 = tpu.memref_slice %arg2[%dma_start3A_241, %dma_start3A_242] : memref<10000x128xf32, #tpu.memory_space<hbm>> -> memref<10000x128xf32, #tpu.memory_space<hbm>>
    tpu.enqueue_indirect_dma source(%dma_start3A_243 : memref<10000x128xf32, #tpu.memory_space<hbm>>) target(%arg13 : memref<128x128xf32, #tpu.memory_space<vmem>>) offsets(%dma_start3A_240 : memref<128xi32, #tpu.memory_space<vmem>>) semaphore(%arg16 : memref<!tpu.dma_semaphore, #tpu.memory_space<semaphore_mem>>)
    %dma_start3A_244 = arith.constant 1 : i32
    %dma_start3A_245 = arith.constant 0 : i32
    %dma_start3A_246 = tpu.memref_slice %arg11[%dma_start3A_244, %dma_start3A_245] : memref<40x128xi32, #tpu.memory_space<vmem>> -> memref<1x128xi32, #tpu.memory_space<vmem>>
    %dma_start3A_247 = tpu.memref_squeeze %dma_start3A_246 : memref<1x128xi32, #tpu.memory_space<vmem>> -> memref<128xi32, #tpu.memory_space<vmem>>
    %dma_start3A_248 = arith.constant 0 : i32
    %dma_start3A_249 = arith.constant 0 : i32
    %dma_start3A_250 = tpu.memref_slice %arg2[%dma_start3A_248, %dma_start3A_249] : memref<10000x128xf32, #tpu.memory_space<hbm>> -> memref<10000x128xf32, #tpu.memory_space<hbm>>
    tpu.enqueue_indirect_dma source(%dma_start3A_250 : memref<10000x128xf32, #tpu.memory_space<hbm>>) target(%arg14 : memref<128x128xf32, #tpu.memory_space<vmem>>) offsets(%dma_start3A_247 : memref<128xi32, #tpu.memory_space<vmem>>) semaphore(%arg17 : memref<!tpu.dma_semaphore, #tpu.memory_space<semaphore_mem>>)
    %dma_wait3A_251 = arith.constant 0 : i32
    %dma_wait3A_252 = arith.constant 0 : i32
    %dma_wait3A_253 = tpu.memref_slice %arg11[%dma_wait3A_251, %dma_wait3A_252] : memref<40x128xi32, #tpu.memory_space<vmem>> -> memref<1x128xi32, #tpu.memory_space<vmem>>
    %dma_wait3A_254 = tpu.memref_squeeze %dma_wait3A_253 : memref<1x128xi32, #tpu.memory_space<vmem>> -> memref<128xi32, #tpu.memory_space<vmem>>
    %dma_wait3A_255 = arith.constant 0 : i32
    %dma_wait3A_256 = arith.constant 0 : i32
    %dma_wait3A_257 = tpu.memref_slice %arg2[%dma_wait3A_255, %dma_wait3A_256] : memref<10000x128xf32, #tpu.memory_space<hbm>> -> memref<10000x128xf32, #tpu.memory_space<hbm>>
    tpu.wait_indirect_dma semaphore(%arg16 : memref<!tpu.dma_semaphore, #tpu.memory_space<semaphore_mem>>) src(%dma_wait3A_257 : memref<10000x128xf32, #tpu.memory_space<hbm>>) dst(%arg13 : memref<128x128xf32, #tpu.memory_space<vmem>>)
    %dma_start3A_258 = arith.constant 0 : i32
    %dma_start3A_259 = arith.constant 0 : i32
    %dma_start3A_260 = tpu.memref_slice %arg12[%dma_start3A_258, %dma_start3A_259] : memref<40x128xi32, #tpu.memory_space<vmem>> -> memref<1x128xi32, #tpu.memory_space<vmem>>
    %dma_start3A_261 = tpu.memref_squeeze %dma_start3A_260 : memref<1x128xi32, #tpu.memory_space<vmem>> -> memref<128xi32, #tpu.memory_space<vmem>>
    %dma_start3A_262 = arith.constant 0 : i32
    %dma_start3A_263 = arith.constant 0 : i32
    %dma_start3A_264 = tpu.memref_slice %arg9[%dma_start3A_262, %dma_start3A_263] : memref<10112x128xf32, #tpu.memory_space<vmem_shared>> -> memref<10112x128xf32, #tpu.memory_space<vmem_shared>>
    tpu.enqueue_indirect_dma source(%arg13 : memref<128x128xf32, #tpu.memory_space<vmem>>) target(%dma_start3A_264 : memref<10112x128xf32, #tpu.memory_space<vmem_shared>>) offsets(%dma_start3A_261 : memref<128xi32, #tpu.memory_space<vmem>>) semaphore(%arg18 : memref<!tpu.dma_semaphore, #tpu.memory_space<semaphore_mem>>) {add = true}
    %dma_start3A_265 = arith.constant 0 : i32
    %dma_start3A_266 = arith.constant 0 : i32
    %dma_start3A_267 = tpu.memref_slice %arg12[%dma_start3A_265, %dma_start3A_266] : memref<40x128xi32, #tpu.memory_space<vmem>> -> memref<1x128xi32, #tpu.memory_space<vmem>>
    %dma_start3A_268 = tpu.memref_squeeze %dma_start3A_267 : memref<1x128xi32, #tpu.memory_space<vmem>> -> memref<128xi32, #tpu.memory_space<vmem>>
    %dma_start3A_269 = arith.constant 0 : i32
    %dma_start3A_270 = tpu.memref_slice %arg10[%dma_start3A_269] : memref<10240xf32, #tpu.memory_space<vmem_shared>> -> memref<10240xf32, #tpu.memory_space<vmem_shared>>
    tpu.enqueue_indirect_dma source(%arg15 : memref<128xf32, #tpu.memory_space<vmem>>) target(%dma_start3A_270 : memref<10240xf32, #tpu.memory_space<vmem_shared>>) offsets(%dma_start3A_268 : memref<128xi32, #tpu.memory_space<vmem>>) semaphore(%arg20 : memref<!tpu.dma_semaphore, #tpu.memory_space<semaphore_mem>>) {add = true}
    %dma_wait3A_271 = arith.constant 0 : i32
    %dma_wait3A_272 = arith.constant 0 : i32
    %dma_wait3A_273 = tpu.memref_slice %arg12[%dma_wait3A_271, %dma_wait3A_272] : memref<40x128xi32, #tpu.memory_space<vmem>> -> memref<1x128xi32, #tpu.memory_space<vmem>>
    %dma_wait3A_274 = tpu.memref_squeeze %dma_wait3A_273 : memref<1x128xi32, #tpu.memory_space<vmem>> -> memref<128xi32, #tpu.memory_space<vmem>>
    %dma_wait3A_275 = arith.constant 0 : i32
    %dma_wait3A_276 = arith.constant 0 : i32
    %dma_wait3A_277 = tpu.memref_slice %arg9[%dma_wait3A_275, %dma_wait3A_276] : memref<10112x128xf32, #tpu.memory_space<vmem_shared>> -> memref<10112x128xf32, #tpu.memory_space<vmem_shared>>
    tpu.wait_indirect_dma semaphore(%arg18 : memref<!tpu.dma_semaphore, #tpu.memory_space<semaphore_mem>>) src(%arg13 : memref<128x128xf32, #tpu.memory_space<vmem>>) dst(%dma_wait3A_277 : memref<10112x128xf32, #tpu.memory_space<vmem_shared>>)
    %dma_start3A_278 = arith.constant 2 : i32
    %dma_start3A_279 = arith.constant 0 : i32
    %dma_start3A_280 = tpu.memref_slice %arg11[%dma_start3A_278, %dma_start3A_279] : memref<40x128xi32, #tpu.memory_space<vmem>> -> memref<1x128xi32, #tpu.memory_space<vmem>>
    %dma_start3A_281 = tpu.memref_squeeze %dma_start3A_280 : memref<1x128xi32, #tpu.memory_space<vmem>> -> memref<128xi32, #tpu.memory_space<vmem>>
    %dma_start3A_282 = arith.constant 0 : i32
    %dma_start3A_283 = arith.constant 0 : i32
    %dma_start3A_284 = tpu.memref_slice %arg2[%dma_start3A_282, %dma_start3A_283] : memref<10000x128xf32, #tpu.memory_space<hbm>> -> memref<10000x128xf32, #tpu.memory_space<hbm>>
    tpu.enqueue_indirect_dma source(%dma_start3A_284 : memref<10000x128xf32, #tpu.memory_space<hbm>>) target(%arg13 : memref<128x128xf32, #tpu.memory_space<vmem>>) offsets(%dma_start3A_281 : memref<128xi32, #tpu.memory_space<vmem>>) semaphore(%arg16 : memref<!tpu.dma_semaphore, #tpu.memory_space<semaphore_mem>>)
    %dma_wait3A_285 = arith.constant 1 : i32
    %dma_wait3A_286 = arith.constant 0 : i32
    %dma_wait3A_287 = tpu.memref_slice %arg11[%dma_wait3A_285, %dma_wait3A_286] : memref<40x128xi32, #tpu.memory_space<vmem>> -> memref<1x128xi32, #tpu.memory_space<vmem>>
    %dma_wait3A_288 = tpu.memref_squeeze %dma_wait3A_287 : memref<1x128xi32, #tpu.memory_space<vmem>> -> memref<128xi32, #tpu.memory_space<vmem>>
    %dma_wait3A_289 = arith.constant 0 : i32
    %dma_wait3A_290 = arith.constant 0 : i32
    %dma_wait3A_291 = tpu.memref_slice %arg2[%dma_wait3A_289, %dma_wait3A_290] : memref<10000x128xf32, #tpu.memory_space<hbm>> -> memref<10000x128xf32, #tpu.memory_space<hbm>>
    tpu.wait_indirect_dma semaphore(%arg17 : memref<!tpu.dma_semaphore, #tpu.memory_space<semaphore_mem>>) src(%dma_wait3A_291 : memref<10000x128xf32, #tpu.memory_space<hbm>>) dst(%arg14 : memref<128x128xf32, #tpu.memory_space<vmem>>)
    %dma_start3A_292 = arith.constant 1 : i32
    %dma_start3A_293 = arith.constant 0 : i32
    %dma_start3A_294 = tpu.memref_slice %arg12[%dma_start3A_292, %dma_start3A_293] : memref<40x128xi32, #tpu.memory_space<vmem>> -> memref<1x128xi32, #tpu.memory_space<vmem>>
    %dma_start3A_295 = tpu.memref_squeeze %dma_start3A_294 : memref<1x128xi32, #tpu.memory_space<vmem>> -> memref<128xi32, #tpu.memory_space<vmem>>
    %dma_start3A_296 = arith.constant 0 : i32
    %dma_start3A_297 = arith.constant 0 : i32
    %dma_start3A_298 = tpu.memref_slice %arg9[%dma_start3A_296, %dma_start3A_297] : memref<10112x128xf32, #tpu.memory_space<vmem_shared>> -> memref<10112x128xf32, #tpu.memory_space<vmem_shared>>
    tpu.enqueue_indirect_dma source(%arg14 : memref<128x128xf32, #tpu.memory_space<vmem>>) target(%dma_start3A_298 : memref<10112x128xf32, #tpu.memory_space<vmem_shared>>) offsets(%dma_start3A_295 : memref<128xi32, #tpu.memory_space<vmem>>) semaphore(%arg19 : memref<!tpu.dma_semaphore, #tpu.memory_space<semaphore_mem>>) {add = true}
    %dma_start3A_299 = arith.constant 1 : i32
    %dma_start3A_300 = arith.constant 0 : i32
    %dma_start3A_301 = tpu.memref_slice %arg12[%dma_start3A_299, %dma_start3A_300] : memref<40x128xi32, #tpu.memory_space<vmem>> -> memref<1x128xi32, #tpu.memory_space<vmem>>
    %dma_start3A_302 = tpu.memref_squeeze %dma_start3A_301 : memref<1x128xi32, #tpu.memory_space<vmem>> -> memref<128xi32, #tpu.memory_space<vmem>>
    %dma_start3A_303 = arith.constant 0 : i32
    %dma_start3A_304 = tpu.memref_slice %arg10[%dma_start3A_303] : memref<10240xf32, #tpu.memory_space<vmem_shared>> -> memref<10240xf32, #tpu.memory_space<vmem_shared>>
    tpu.enqueue_indirect_dma source(%arg15 : memref<128xf32, #tpu.memory_space<vmem>>) target(%dma_start3A_304 : memref<10240xf32, #tpu.memory_space<vmem_shared>>) offsets(%dma_start3A_302 : memref<128xi32, #tpu.memory_space<vmem>>) semaphore(%arg21 : memref<!tpu.dma_semaphore, #tpu.memory_space<semaphore_mem>>) {add = true}
    %scan3A_305 = arith.constant 0 : i32
    %scan3A_306 = arith.constant 1 : i32
    %scan3A_307 = arith.constant 18 : i32
    %scan3A_308 = arith.addi %scan3A_306, %scan3A_307 : i32
    %scan3A_309 = arith.constant 1 : i32
    %scan3A_310 = scf.for %scan3A_409 = %scan3A_306 to %scan3A_308 step %scan3A_309 iter_args(%scan3A_410 = %scan3A_305) -> (i32)  : i32 {
      %mul3A_411 = arith.constant 2 : i32
      %mul3A_412 = arith.muli %mul3A_411, %scan3A_409 : i32
      %sub3A = arith.constant 1 : i32
      %sub3A_413 = arith.subi %mul3A_412, %sub3A : i32
      %dma_wait3A_414 = arith.constant 0 : i32
      %dma_wait3A_415 = tpu.memref_slice %arg12[%sub3A_413, %dma_wait3A_414] : memref<40x128xi32, #tpu.memory_space<vmem>> -> memref<1x128xi32, #tpu.memory_space<vmem>>
      %dma_wait3A_416 = tpu.memref_squeeze %dma_wait3A_415 : memref<1x128xi32, #tpu.memory_space<vmem>> -> memref<128xi32, #tpu.memory_space<vmem>>
      %dma_wait3A_417 = arith.constant 0 : i32
      %dma_wait3A_418 = arith.constant 0 : i32
      %dma_wait3A_419 = tpu.memref_slice %arg9[%dma_wait3A_417, %dma_wait3A_418] : memref<10112x128xf32, #tpu.memory_space<vmem_shared>> -> memref<10112x128xf32, #tpu.memory_space<vmem_shared>>
      tpu.wait_indirect_dma semaphore(%arg19 : memref<!tpu.dma_semaphore, #tpu.memory_space<semaphore_mem>>) src(%arg14 : memref<128x128xf32, #tpu.memory_space<vmem>>) dst(%dma_wait3A_419 : memref<10112x128xf32, #tpu.memory_space<vmem_shared>>)
      %add3A_420 = arith.constant 1 : i32
      %add3A_421 = arith.addi %mul3A_412, %add3A_420 : i32
      %dma_start3A_422 = arith.constant 0 : i32
      %dma_start3A_423 = tpu.memref_slice %arg11[%add3A_421, %dma_start3A_422] : memref<40x128xi32, #tpu.memory_space<vmem>> -> memref<1x128xi32, #tpu.memory_space<vmem>>
      %dma_start3A_424 = tpu.memref_squeeze %dma_start3A_423 : memref<1x128xi32, #tpu.memory_space<vmem>> -> memref<128xi32, #tpu.memory_space<vmem>>
      %dma_start3A_425 = arith.constant 0 : i32
      %dma_start3A_426 = arith.constant 0 : i32
      %dma_start3A_427 = tpu.memref_slice %arg2[%dma_start3A_425, %dma_start3A_426] : memref<10000x128xf32, #tpu.memory_space<hbm>> -> memref<10000x128xf32, #tpu.memory_space<hbm>>
      tpu.enqueue_indirect_dma source(%dma_start3A_427 : memref<10000x128xf32, #tpu.memory_space<hbm>>) target(%arg14 : memref<128x128xf32, #tpu.memory_space<vmem>>) offsets(%dma_start3A_424 : memref<128xi32, #tpu.memory_space<vmem>>) semaphore(%arg17 : memref<!tpu.dma_semaphore, #tpu.memory_space<semaphore_mem>>)
      %sub3A_428 = arith.constant 2 : i32
      %sub3A_429 = arith.subi %mul3A_412, %sub3A_428 : i32
      %dma_wait3A_430 = arith.constant 0 : i32
      %dma_wait3A_431 = tpu.memref_slice %arg12[%sub3A_429, %dma_wait3A_430] : memref<40x128xi32, #tpu.memory_space<vmem>> -> memref<1x128xi32, #tpu.memory_space<vmem>>
      %dma_wait3A_432 = tpu.memref_squeeze %dma_wait3A_431 : memref<1x128xi32, #tpu.memory_space<vmem>> -> memref<128xi32, #tpu.memory_space<vmem>>
      %dma_wait3A_433 = arith.constant 0 : i32
      %dma_wait3A_434 = tpu.memref_slice %arg10[%dma_wait3A_433] : memref<10240xf32, #tpu.memory_space<vmem_shared>> -> memref<10240xf32, #tpu.memory_space<vmem_shared>>
      tpu.wait_indirect_dma semaphore(%arg20 : memref<!tpu.dma_semaphore, #tpu.memory_space<semaphore_mem>>) src(%arg15 : memref<128xf32, #tpu.memory_space<vmem>>) dst(%dma_wait3A_434 : memref<10240xf32, #tpu.memory_space<vmem_shared>>)
      %dma_wait3A_435 = arith.constant 0 : i32
      %dma_wait3A_436 = tpu.memref_slice %arg11[%mul3A_412, %dma_wait3A_435] : memref<40x128xi32, #tpu.memory_space<vmem>> -> memref<1x128xi32, #tpu.memory_space<vmem>>
      %dma_wait3A_437 = tpu.memref_squeeze %dma_wait3A_436 : memref<1x128xi32, #tpu.memory_space<vmem>> -> memref<128xi32, #tpu.memory_space<vmem>>
      %dma_wait3A_438 = arith.constant 0 : i32
      %dma_wait3A_439 = arith.constant 0 : i32
      %dma_wait3A_440 = tpu.memref_slice %arg2[%dma_wait3A_438, %dma_wait3A_439] : memref<10000x128xf32, #tpu.memory_space<hbm>> -> memref<10000x128xf32, #tpu.memory_space<hbm>>
      tpu.wait_indirect_dma semaphore(%arg16 : memref<!tpu.dma_semaphore, #tpu.memory_space<semaphore_mem>>) src(%dma_wait3A_440 : memref<10000x128xf32, #tpu.memory_space<hbm>>) dst(%arg13 : memref<128x128xf32, #tpu.memory_space<vmem>>)
      %dma_start3A_441 = arith.constant 0 : i32
      %dma_start3A_442 = tpu.memref_slice %arg12[%mul3A_412, %dma_start3A_441] : memref<40x128xi32, #tpu.memory_space<vmem>> -> memref<1x128xi32, #tpu.memory_space<vmem>>
      %dma_start3A_443 = tpu.memref_squeeze %dma_start3A_442 : memref<1x128xi32, #tpu.memory_space<vmem>> -> memref<128xi32, #tpu.memory_space<vmem>>
      %dma_start3A_444 = arith.constant 0 : i32
      %dma_start3A_445 = arith.constant 0 : i32
      %dma_start3A_446 = tpu.memref_slice %arg9[%dma_start3A_444, %dma_start3A_445] : memref<10112x128xf32, #tpu.memory_space<vmem_shared>> -> memref<10112x128xf32, #tpu.memory_space<vmem_shared>>
      tpu.enqueue_indirect_dma source(%arg13 : memref<128x128xf32, #tpu.memory_space<vmem>>) target(%dma_start3A_446 : memref<10112x128xf32, #tpu.memory_space<vmem_shared>>) offsets(%dma_start3A_443 : memref<128xi32, #tpu.memory_space<vmem>>) semaphore(%arg18 : memref<!tpu.dma_semaphore, #tpu.memory_space<semaphore_mem>>) {add = true}
      %dma_start3A_447 = arith.constant 0 : i32
      %dma_start3A_448 = tpu.memref_slice %arg12[%mul3A_412, %dma_start3A_447] : memref<40x128xi32, #tpu.memory_space<vmem>> -> memref<1x128xi32, #tpu.memory_space<vmem>>
      %dma_start3A_449 = tpu.memref_squeeze %dma_start3A_448 : memref<1x128xi32, #tpu.memory_space<vmem>> -> memref<128xi32, #tpu.memory_space<vmem>>
      %dma_start3A_450 = arith.constant 0 : i32
      %dma_start3A_451 = tpu.memref_slice %arg10[%dma_start3A_450] : memref<10240xf32, #tpu.memory_space<vmem_shared>> -> memref<10240xf32, #tpu.memory_space<vmem_shared>>
      tpu.enqueue_indirect_dma source(%arg15 : memref<128xf32, #tpu.memory_space<vmem>>) target(%dma_start3A_451 : memref<10240xf32, #tpu.memory_space<vmem_shared>>) offsets(%dma_start3A_449 : memref<128xi32, #tpu.memory_space<vmem>>) semaphore(%arg20 : memref<!tpu.dma_semaphore, #tpu.memory_space<semaphore_mem>>) {add = true}
      %mul3A_452 = arith.constant 2 : i32
      %mul3A_453 = arith.muli %mul3A_452, %scan3A_409 : i32
      %add3A_454 = arith.constant 1 : i32
      %add3A_455 = arith.addi %mul3A_453, %add3A_454 : i32
      %sub3A_456 = arith.constant 1 : i32
      %sub3A_457 = arith.subi %add3A_455, %sub3A_456 : i32
      %dma_wait3A_458 = arith.constant 0 : i32
      %dma_wait3A_459 = tpu.memref_slice %arg12[%sub3A_457, %dma_wait3A_458] : memref<40x128xi32, #tpu.memory_space<vmem>> -> memref<1x128xi32, #tpu.memory_space<vmem>>
      %dma_wait3A_460 = tpu.memref_squeeze %dma_wait3A_459 : memref<1x128xi32, #tpu.memory_space<vmem>> -> memref<128xi32, #tpu.memory_space<vmem>>
      %dma_wait3A_461 = arith.constant 0 : i32
      %dma_wait3A_462 = arith.constant 0 : i32
      %dma_wait3A_463 = tpu.memref_slice %arg9[%dma_wait3A_461, %dma_wait3A_462] : memref<10112x128xf32, #tpu.memory_space<vmem_shared>> -> memref<10112x128xf32, #tpu.memory_space<vmem_shared>>
      tpu.wait_indirect_dma semaphore(%arg18 : memref<!tpu.dma_semaphore, #tpu.memory_space<semaphore_mem>>) src(%arg13 : memref<128x128xf32, #tpu.memory_space<vmem>>) dst(%dma_wait3A_463 : memref<10112x128xf32, #tpu.memory_space<vmem_shared>>)
      %add3A_464 = arith.constant 1 : i32
      %add3A_465 = arith.addi %add3A_455, %add3A_464 : i32
      %dma_start3A_466 = arith.constant 0 : i32
      %dma_start3A_467 = tpu.memref_slice %arg11[%add3A_465, %dma_start3A_466] : memref<40x128xi32, #tpu.memory_space<vmem>> -> memref<1x128xi32, #tpu.memory_space<vmem>>
      %dma_start3A_468 = tpu.memref_squeeze %dma_start3A_467 : memref<1x128xi32, #tpu.memory_space<vmem>> -> memref<128xi32, #tpu.memory_space<vmem>>
      %dma_start3A_469 = arith.constant 0 : i32
      %dma_start3A_470 = arith.constant 0 : i32
      %dma_start3A_471 = tpu.memref_slice %arg2[%dma_start3A_469, %dma_start3A_470] : memref<10000x128xf32, #tpu.memory_space<hbm>> -> memref<10000x128xf32, #tpu.memory_space<hbm>>
      tpu.enqueue_indirect_dma source(%dma_start3A_471 : memref<10000x128xf32, #tpu.memory_space<hbm>>) target(%arg13 : memref<128x128xf32, #tpu.memory_space<vmem>>) offsets(%dma_start3A_468 : memref<128xi32, #tpu.memory_space<vmem>>) semaphore(%arg16 : memref<!tpu.dma_semaphore, #tpu.memory_space<semaphore_mem>>)
      %sub3A_472 = arith.constant 2 : i32
      %sub3A_473 = arith.subi %add3A_455, %sub3A_472 : i32
      %dma_wait3A_474 = arith.constant 0 : i32
      %dma_wait3A_475 = tpu.memref_slice %arg12[%sub3A_473, %dma_wait3A_474] : memref<40x128xi32, #tpu.memory_space<vmem>> -> memref<1x128xi32, #tpu.memory_space<vmem>>
      %dma_wait3A_476 = tpu.memref_squeeze %dma_wait3A_475 : memref<1x128xi32, #tpu.memory_space<vmem>> -> memref<128xi32, #tpu.memory_space<vmem>>
      %dma_wait3A_477 = arith.constant 0 : i32
      %dma_wait3A_478 = tpu.memref_slice %arg10[%dma_wait3A_477] : memref<10240xf32, #tpu.memory_space<vmem_shared>> -> memref<10240xf32, #tpu.memory_space<vmem_shared>>
      tpu.wait_indirect_dma semaphore(%arg21 : memref<!tpu.dma_semaphore, #tpu.memory_space<semaphore_mem>>) src(%arg15 : memref<128xf32, #tpu.memory_space<vmem>>) dst(%dma_wait3A_478 : memref<10240xf32, #tpu.memory_space<vmem_shared>>)
      %dma_wait3A_479 = arith.constant 0 : i32
      %dma_wait3A_480 = tpu.memref_slice %arg11[%add3A_455, %dma_wait3A_479] : memref<40x128xi32, #tpu.memory_space<vmem>> -> memref<1x128xi32, #tpu.memory_space<vmem>>
      %dma_wait3A_481 = tpu.memref_squeeze %dma_wait3A_480 : memref<1x128xi32, #tpu.memory_space<vmem>> -> memref<128xi32, #tpu.memory_space<vmem>>
      %dma_wait3A_482 = arith.constant 0 : i32
      %dma_wait3A_483 = arith.constant 0 : i32
      %dma_wait3A_484 = tpu.memref_slice %arg2[%dma_wait3A_482, %dma_wait3A_483] : memref<10000x128xf32, #tpu.memory_space<hbm>> -> memref<10000x128xf32, #tpu.memory_space<hbm>>
      tpu.wait_indirect_dma semaphore(%arg17 : memref<!tpu.dma_semaphore, #tpu.memory_space<semaphore_mem>>) src(%dma_wait3A_484 : memref<10000x128xf32, #tpu.memory_space<hbm>>) dst(%arg14 : memref<128x128xf32, #tpu.memory_space<vmem>>)
      %dma_start3A_485 = arith.constant 0 : i32
      %dma_start3A_486 = tpu.memref_slice %arg12[%add3A_455, %dma_start3A_485] : memref<40x128xi32, #tpu.memory_space<vmem>> -> memref<1x128xi32, #tpu.memory_space<vmem>>
      %dma_start3A_487 = tpu.memref_squeeze %dma_start3A_486 : memref<1x128xi32, #tpu.memory_space<vmem>> -> memref<128xi32, #tpu.memory_space<vmem>>
      %dma_start3A_488 = arith.constant 0 : i32
      %dma_start3A_489 = arith.constant 0 : i32
      %dma_start3A_490 = tpu.memref_slice %arg9[%dma_start3A_488, %dma_start3A_489] : memref<10112x128xf32, #tpu.memory_space<vmem_shared>> -> memref<10112x128xf32, #tpu.memory_space<vmem_shared>>
      tpu.enqueue_indirect_dma source(%arg14 : memref<128x128xf32, #tpu.memory_space<vmem>>) target(%dma_start3A_490 : memref<10112x128xf32, #tpu.memory_space<vmem_shared>>) offsets(%dma_start3A_487 : memref<128xi32, #tpu.memory_space<vmem>>) semaphore(%arg19 : memref<!tpu.dma_semaphore, #tpu.memory_space<semaphore_mem>>) {add = true}
      %dma_start3A_491 = arith.constant 0 : i32
      %dma_start3A_492 = tpu.memref_slice %arg12[%add3A_455, %dma_start3A_491] : memref<40x128xi32, #tpu.memory_space<vmem>> -> memref<1x128xi32, #tpu.memory_space<vmem>>
      %dma_start3A_493 = tpu.memref_squeeze %dma_start3A_492 : memref<1x128xi32, #tpu.memory_space<vmem>> -> memref<128xi32, #tpu.memory_space<vmem>>
      %dma_start3A_494 = arith.constant 0 : i32
      %dma_start3A_495 = tpu.memref_slice %arg10[%dma_start3A_494] : memref<10240xf32, #tpu.memory_space<vmem_shared>> -> memref<10240xf32, #tpu.memory_space<vmem_shared>>
      tpu.enqueue_indirect_dma source(%arg15 : memref<128xf32, #tpu.memory_space<vmem>>) target(%dma_start3A_495 : memref<10240xf32, #tpu.memory_space<vmem_shared>>) offsets(%dma_start3A_493 : memref<128xi32, #tpu.memory_space<vmem>>) semaphore(%arg21 : memref<!tpu.dma_semaphore, #tpu.memory_space<semaphore_mem>>) {add = true}
      %scan3A_496 = arith.constant 0 : i32
      scf.yield %scan3A_496 : i32
    }
    %scan3A_311 = arith.constant 18 : i32
    %dma_wait3A_312 = arith.constant 37 : i32
    %dma_wait3A_313 = arith.constant 0 : i32
    %dma_wait3A_314 = tpu.memref_slice %arg12[%dma_wait3A_312, %dma_wait3A_313] : memref<40x128xi32, #tpu.memory_space<vmem>> -> memref<1x128xi32, #tpu.memory_space<vmem>>
    %dma_wait3A_315 = tpu.memref_squeeze %dma_wait3A_314 : memref<1x128xi32, #tpu.memory_space<vmem>> -> memref<128xi32, #tpu.memory_space<vmem>>
    %dma_wait3A_316 = arith.constant 0 : i32
    %dma_wait3A_317 = arith.constant 0 : i32
    %dma_wait3A_318 = tpu.memref_slice %arg9[%dma_wait3A_316, %dma_wait3A_317] : memref<10112x128xf32, #tpu.memory_space<vmem_shared>> -> memref<10112x128xf32, #tpu.memory_space<vmem_shared>>
    tpu.wait_indirect_dma semaphore(%arg19 : memref<!tpu.dma_semaphore, #tpu.memory_space<semaphore_mem>>) src(%arg14 : memref<128x128xf32, #tpu.memory_space<vmem>>) dst(%dma_wait3A_318 : memref<10112x128xf32, #tpu.memory_space<vmem_shared>>)
    %dma_start3A_319 = arith.constant 39 : i32
    %dma_start3A_320 = arith.constant 0 : i32
    %dma_start3A_321 = tpu.memref_slice %arg11[%dma_start3A_319, %dma_start3A_320] : memref<40x128xi32, #tpu.memory_space<vmem>> -> memref<1x128xi32, #tpu.memory_space<vmem>>
    %dma_start3A_322 = tpu.memref_squeeze %dma_start3A_321 : memref<1x128xi32, #tpu.memory_space<vmem>> -> memref<128xi32, #tpu.memory_space<vmem>>
    %dma_start3A_323 = arith.constant 0 : i32
    %dma_start3A_324 = arith.constant 0 : i32
    %dma_start3A_325 = tpu.memref_slice %arg2[%dma_start3A_323, %dma_start3A_324] : memref<10000x128xf32, #tpu.memory_space<hbm>> -> memref<10000x128xf32, #tpu.memory_space<hbm>>
    tpu.enqueue_indirect_dma source(%dma_start3A_325 : memref<10000x128xf32, #tpu.memory_space<hbm>>) target(%arg14 : memref<128x128xf32, #tpu.memory_space<vmem>>) offsets(%dma_start3A_322 : memref<128xi32, #tpu.memory_space<vmem>>) semaphore(%arg17 : memref<!tpu.dma_semaphore, #tpu.memory_space<semaphore_mem>>)
    %dma_wait3A_326 = arith.constant 36 : i32
    %dma_wait3A_327 = arith.constant 0 : i32
    %dma_wait3A_328 = tpu.memref_slice %arg12[%dma_wait3A_326, %dma_wait3A_327] : memref<40x128xi32, #tpu.memory_space<vmem>> -> memref<1x128xi32, #tpu.memory_space<vmem>>
    %dma_wait3A_329 = tpu.memref_squeeze %dma_wait3A_328 : memref<1x128xi32, #tpu.memory_space<vmem>> -> memref<128xi32, #tpu.memory_space<vmem>>
    %dma_wait3A_330 = arith.constant 0 : i32
    %dma_wait3A_331 = tpu.memref_slice %arg10[%dma_wait3A_330] : memref<10240xf32, #tpu.memory_space<vmem_shared>> -> memref<10240xf32, #tpu.memory_space<vmem_shared>>
    tpu.wait_indirect_dma semaphore(%arg20 : memref<!tpu.dma_semaphore, #tpu.memory_space<semaphore_mem>>) src(%arg15 : memref<128xf32, #tpu.memory_space<vmem>>) dst(%dma_wait3A_331 : memref<10240xf32, #tpu.memory_space<vmem_shared>>)
    %dma_wait3A_332 = arith.constant 38 : i32
    %dma_wait3A_333 = arith.constant 0 : i32
    %dma_wait3A_334 = tpu.memref_slice %arg11[%dma_wait3A_332, %dma_wait3A_333] : memref<40x128xi32, #tpu.memory_space<vmem>> -> memref<1x128xi32, #tpu.memory_space<vmem>>
    %dma_wait3A_335 = tpu.memref_squeeze %dma_wait3A_334 : memref<1x128xi32, #tpu.memory_space<vmem>> -> memref<128xi32, #tpu.memory_space<vmem>>
    %dma_wait3A_336 = arith.constant 0 : i32
    %dma_wait3A_337 = arith.constant 0 : i32
    %dma_wait3A_338 = tpu.memref_slice %arg2[%dma_wait3A_336, %dma_wait3A_337] : memref<10000x128xf32, #tpu.memory_space<hbm>> -> memref<10000x128xf32, #tpu.memory_space<hbm>>
    tpu.wait_indirect_dma semaphore(%arg16 : memref<!tpu.dma_semaphore, #tpu.memory_space<semaphore_mem>>) src(%dma_wait3A_338 : memref<10000x128xf32, #tpu.memory_space<hbm>>) dst(%arg13 : memref<128x128xf32, #tpu.memory_space<vmem>>)
    %dma_start3A_339 = arith.constant 38 : i32
    %dma_start3A_340 = arith.constant 0 : i32
    %dma_start3A_341 = tpu.memref_slice %arg12[%dma_start3A_339, %dma_start3A_340] : memref<40x128xi32, #tpu.memory_space<vmem>> -> memref<1x128xi32, #tpu.memory_space<vmem>>
    %dma_start3A_342 = tpu.memref_squeeze %dma_start3A_341 : memref<1x128xi32, #tpu.memory_space<vmem>> -> memref<128xi32, #tpu.memory_space<vmem>>
    %dma_start3A_343 = arith.constant 0 : i32
    %dma_start3A_344 = arith.constant 0 : i32
    %dma_start3A_345 = tpu.memref_slice %arg9[%dma_start3A_343, %dma_start3A_344] : memref<10112x128xf32, #tpu.memory_space<vmem_shared>> -> memref<10112x128xf32, #tpu.memory_space<vmem_shared>>
    tpu.enqueue_indirect_dma source(%arg13 : memref<128x128xf32, #tpu.memory_space<vmem>>) target(%dma_start3A_345 : memref<10112x128xf32, #tpu.memory_space<vmem_shared>>) offsets(%dma_start3A_342 : memref<128xi32, #tpu.memory_space<vmem>>) semaphore(%arg18 : memref<!tpu.dma_semaphore, #tpu.memory_space<semaphore_mem>>) {add = true}
    %dma_start3A_346 = arith.constant 38 : i32
    %dma_start3A_347 = arith.constant 0 : i32
    %dma_start3A_348 = tpu.memref_slice %arg12[%dma_start3A_346, %dma_start3A_347] : memref<40x128xi32, #tpu.memory_space<vmem>> -> memref<1x128xi32, #tpu.memory_space<vmem>>
    %dma_start3A_349 = tpu.memref_squeeze %dma_start3A_348 : memref<1x128xi32, #tpu.memory_space<vmem>> -> memref<128xi32, #tpu.memory_space<vmem>>
    %dma_start3A_350 = arith.constant 0 : i32
    %dma_start3A_351 = tpu.memref_slice %arg10[%dma_start3A_350] : memref<10240xf32, #tpu.memory_space<vmem_shared>> -> memref<10240xf32, #tpu.memory_space<vmem_shared>>
    tpu.enqueue_indirect_dma source(%arg15 : memref<128xf32, #tpu.memory_space<vmem>>) target(%dma_start3A_351 : memref<10240xf32, #tpu.memory_space<vmem_shared>>) offsets(%dma_start3A_349 : memref<128xi32, #tpu.memory_space<vmem>>) semaphore(%arg20 : memref<!tpu.dma_semaphore, #tpu.memory_space<semaphore_mem>>) {add = true}
    %dma_wait3A_352 = arith.constant 38 : i32
    %dma_wait3A_353 = arith.constant 0 : i32
    %dma_wait3A_354 = tpu.memref_slice %arg12[%dma_wait3A_352, %dma_wait3A_353] : memref<40x128xi32, #tpu.memory_space<vmem>> -> memref<1x128xi32, #tpu.memory_space<vmem>>
    %dma_wait3A_355 = tpu.memref_squeeze %dma_wait3A_354 : memref<1x128xi32, #tpu.memory_space<vmem>> -> memref<128xi32, #tpu.memory_space<vmem>>
    %dma_wait3A_356 = arith.constant 0 : i32
    %dma_wait3A_357 = arith.constant 0 : i32
    %dma_wait3A_358 = tpu.memref_slice %arg9[%dma_wait3A_356, %dma_wait3A_357] : memref<10112x128xf32, #tpu.memory_space<vmem_shared>> -> memref<10112x128xf32, #tpu.memory_space<vmem_shared>>
    tpu.wait_indirect_dma semaphore(%arg18 : memref<!tpu.dma_semaphore, #tpu.memory_space<semaphore_mem>>) src(%arg13 : memref<128x128xf32, #tpu.memory_space<vmem>>) dst(%dma_wait3A_358 : memref<10112x128xf32, #tpu.memory_space<vmem_shared>>)
    %dma_wait3A_359 = arith.constant 37 : i32
    %dma_wait3A_360 = arith.constant 0 : i32
    %dma_wait3A_361 = tpu.memref_slice %arg12[%dma_wait3A_359, %dma_wait3A_360] : memref<40x128xi32, #tpu.memory_space<vmem>> -> memref<1x128xi32, #tpu.memory_space<vmem>>
    %dma_wait3A_362 = tpu.memref_squeeze %dma_wait3A_361 : memref<1x128xi32, #tpu.memory_space<vmem>> -> memref<128xi32, #tpu.memory_space<vmem>>
    %dma_wait3A_363 = arith.constant 0 : i32
    %dma_wait3A_364 = tpu.memref_slice %arg10[%dma_wait3A_363] : memref<10240xf32, #tpu.memory_space<vmem_shared>> -> memref<10240xf32, #tpu.memory_space<vmem_shared>>
    tpu.wait_indirect_dma semaphore(%arg21 : memref<!tpu.dma_semaphore, #tpu.memory_space<semaphore_mem>>) src(%arg15 : memref<128xf32, #tpu.memory_space<vmem>>) dst(%dma_wait3A_364 : memref<10240xf32, #tpu.memory_space<vmem_shared>>)
    %dma_wait3A_365 = arith.constant 39 : i32
    %dma_wait3A_366 = arith.constant 0 : i32
    %dma_wait3A_367 = tpu.memref_slice %arg11[%dma_wait3A_365, %dma_wait3A_366] : memref<40x128xi32, #tpu.memory_space<vmem>> -> memref<1x128xi32, #tpu.memory_space<vmem>>
    %dma_wait3A_368 = tpu.memref_squeeze %dma_wait3A_367 : memref<1x128xi32, #tpu.memory_space<vmem>> -> memref<128xi32, #tpu.memory_space<vmem>>
    %dma_wait3A_369 = arith.constant 0 : i32
    %dma_wait3A_370 = arith.constant 0 : i32
    %dma_wait3A_371 = tpu.memref_slice %arg2[%dma_wait3A_369, %dma_wait3A_370] : memref<10000x128xf32, #tpu.memory_space<hbm>> -> memref<10000x128xf32, #tpu.memory_space<hbm>>
    tpu.wait_indirect_dma semaphore(%arg17 : memref<!tpu.dma_semaphore, #tpu.memory_space<semaphore_mem>>) src(%dma_wait3A_371 : memref<10000x128xf32, #tpu.memory_space<hbm>>) dst(%arg14 : memref<128x128xf32, #tpu.memory_space<vmem>>)
    %dma_start3A_372 = arith.constant 39 : i32
    %dma_start3A_373 = arith.constant 0 : i32
    %dma_start3A_374 = tpu.memref_slice %arg12[%dma_start3A_372, %dma_start3A_373] : memref<40x128xi32, #tpu.memory_space<vmem>> -> memref<1x128xi32, #tpu.memory_space<vmem>>
    %dma_start3A_375 = tpu.memref_squeeze %dma_start3A_374 : memref<1x128xi32, #tpu.memory_space<vmem>> -> memref<128xi32, #tpu.memory_space<vmem>>
    %dma_start3A_376 = arith.constant 0 : i32
    %dma_start3A_377 = arith.constant 0 : i32
    %dma_start3A_378 = tpu.memref_slice %arg9[%dma_start3A_376, %dma_start3A_377] : memref<10112x128xf32, #tpu.memory_space<vmem_shared>> -> memref<10112x128xf32, #tpu.memory_space<vmem_shared>>
    tpu.enqueue_indirect_dma source(%arg14 : memref<128x128xf32, #tpu.memory_space<vmem>>) target(%dma_start3A_378 : memref<10112x128xf32, #tpu.memory_space<vmem_shared>>) offsets(%dma_start3A_375 : memref<128xi32, #tpu.memory_space<vmem>>) semaphore(%arg19 : memref<!tpu.dma_semaphore, #tpu.memory_space<semaphore_mem>>) {add = true}
    %dma_start3A_379 = arith.constant 39 : i32
    %dma_start3A_380 = arith.constant 0 : i32
    %dma_start3A_381 = tpu.memref_slice %arg12[%dma_start3A_379, %dma_start3A_380] : memref<40x128xi32, #tpu.memory_space<vmem>> -> memref<1x128xi32, #tpu.memory_space<vmem>>
    %dma_start3A_382 = tpu.memref_squeeze %dma_start3A_381 : memref<1x128xi32, #tpu.memory_space<vmem>> -> memref<128xi32, #tpu.memory_space<vmem>>
    %dma_start3A_383 = arith.constant 0 : i32
    %dma_start3A_384 = tpu.memref_slice %arg10[%dma_start3A_383] : memref<10240xf32, #tpu.memory_space<vmem_shared>> -> memref<10240xf32, #tpu.memory_space<vmem_shared>>
    tpu.enqueue_indirect_dma source(%arg15 : memref<128xf32, #tpu.memory_space<vmem>>) target(%dma_start3A_384 : memref<10240xf32, #tpu.memory_space<vmem_shared>>) offsets(%dma_start3A_382 : memref<128xi32, #tpu.memory_space<vmem>>) semaphore(%arg21 : memref<!tpu.dma_semaphore, #tpu.memory_space<semaphore_mem>>) {add = true}
    %dma_wait3A_385 = arith.constant 39 : i32
    %dma_wait3A_386 = arith.constant 0 : i32
    %dma_wait3A_387 = tpu.memref_slice %arg12[%dma_wait3A_385, %dma_wait3A_386] : memref<40x128xi32, #tpu.memory_space<vmem>> -> memref<1x128xi32, #tpu.memory_space<vmem>>
    %dma_wait3A_388 = tpu.memref_squeeze %dma_wait3A_387 : memref<1x128xi32, #tpu.memory_space<vmem>> -> memref<128xi32, #tpu.memory_space<vmem>>
    %dma_wait3A_389 = arith.constant 0 : i32
    %dma_wait3A_390 = arith.constant 0 : i32
    %dma_wait3A_391 = tpu.memref_slice %arg9[%dma_wait3A_389, %dma_wait3A_390] : memref<10112x128xf32, #tpu.memory_space<vmem_shared>> -> memref<10112x128xf32, #tpu.memory_space<vmem_shared>>
    tpu.wait_indirect_dma semaphore(%arg19 : memref<!tpu.dma_semaphore, #tpu.memory_space<semaphore_mem>>) src(%arg14 : memref<128x128xf32, #tpu.memory_space<vmem>>) dst(%dma_wait3A_391 : memref<10112x128xf32, #tpu.memory_space<vmem_shared>>)
    %dma_wait3A_392 = arith.constant 38 : i32
    %dma_wait3A_393 = arith.constant 0 : i32
    %dma_wait3A_394 = tpu.memref_slice %arg12[%dma_wait3A_392, %dma_wait3A_393] : memref<40x128xi32, #tpu.memory_space<vmem>> -> memref<1x128xi32, #tpu.memory_space<vmem>>
    %dma_wait3A_395 = tpu.memref_squeeze %dma_wait3A_394 : memref<1x128xi32, #tpu.memory_space<vmem>> -> memref<128xi32, #tpu.memory_space<vmem>>
    %dma_wait3A_396 = arith.constant 0 : i32
    %dma_wait3A_397 = tpu.memref_slice %arg10[%dma_wait3A_396] : memref<10240xf32, #tpu.memory_space<vmem_shared>> -> memref<10240xf32, #tpu.memory_space<vmem_shared>>
    tpu.wait_indirect_dma semaphore(%arg20 : memref<!tpu.dma_semaphore, #tpu.memory_space<semaphore_mem>>) src(%arg15 : memref<128xf32, #tpu.memory_space<vmem>>) dst(%dma_wait3A_397 : memref<10240xf32, #tpu.memory_space<vmem_shared>>)
    %dma_wait3A_398 = arith.constant 39 : i32
    %dma_wait3A_399 = arith.constant 0 : i32
    %dma_wait3A_400 = tpu.memref_slice %arg12[%dma_wait3A_398, %dma_wait3A_399] : memref<40x128xi32, #tpu.memory_space<vmem>> -> memref<1x128xi32, #tpu.memory_space<vmem>>
    %dma_wait3A_401 = tpu.memref_squeeze %dma_wait3A_400 : memref<1x128xi32, #tpu.memory_space<vmem>> -> memref<128xi32, #tpu.memory_space<vmem>>
    %dma_wait3A_402 = arith.constant 0 : i32
    %dma_wait3A_403 = tpu.memref_slice %arg10[%dma_wait3A_402] : memref<10240xf32, #tpu.memory_space<vmem_shared>> -> memref<10240xf32, #tpu.memory_space<vmem_shared>>
    tpu.wait_indirect_dma semaphore(%arg21 : memref<!tpu.dma_semaphore, #tpu.memory_space<semaphore_mem>>) src(%arg15 : memref<128xf32, #tpu.memory_space<vmem>>) dst(%dma_wait3A_403 : memref<10240xf32, #tpu.memory_space<vmem_shared>>)
    %barrier3A_404 = arith.constant 0 : index
    tpu.barrier barrier_id(%barrier3A_404)
    "tpu.region"() ({
      %run_scoped3A_409 = tpu.sem_alloc : memref<!tpu.dma_semaphore, #tpu.memory_space<semaphore_mem>>
      %dma_start3A_410 = arith.constant 0 : i32
      %dma_start3A_411 = tpu.memref_slice %arg7[%arg0, %mul3A_65, %dma_start3A_410] : memref<2x10112x128xf32, #tpu.memory_space<hbm>> -> memref<1x632x128xf32, #tpu.memory_space<hbm>>
      %dma_start3A_412 = tpu.memref_squeeze %dma_start3A_411 : memref<1x632x128xf32, #tpu.memory_space<hbm>> -> memref<632x128xf32, #tpu.memory_space<hbm>>
      %dma_start3A_413 = arith.constant 0 : i32
      %dma_start3A_414 = tpu.memref_slice %arg9[%mul3A_65, %dma_start3A_413] : memref<10112x128xf32, #tpu.memory_space<vmem_shared>> -> memref<632x128xf32, #tpu.memory_space<vmem_shared>>
      tpu.enqueue_dma source(%dma_start3A_414 : memref<632x128xf32, #tpu.memory_space<vmem_shared>>) target(%dma_start3A_412 : memref<632x128xf32, #tpu.memory_space<hbm>>) target_semaphore(%run_scoped3A_409 : memref<!tpu.dma_semaphore, #tpu.memory_space<semaphore_mem>>)
      %dma_wait3A_415 = arith.constant 0 : i32
      %dma_wait3A_416 = tpu.memref_slice %arg7[%arg0, %mul3A_65, %dma_wait3A_415] : memref<2x10112x128xf32, #tpu.memory_space<hbm>> -> memref<1x632x128xf32, #tpu.memory_space<hbm>>
      %dma_wait3A_417 = tpu.memref_squeeze %dma_wait3A_416 : memref<1x632x128xf32, #tpu.memory_space<hbm>> -> memref<632x128xf32, #tpu.memory_space<hbm>>
      %dma_wait3A_418 = arith.constant 0 : i32
      %dma_wait3A_419 = tpu.memref_slice %arg9[%mul3A_65, %dma_wait3A_418] : memref<10112x128xf32, #tpu.memory_space<vmem_shared>> -> memref<632x128xf32, #tpu.memory_space<vmem_shared>>
      tpu.wait_dma2 semaphore(%run_scoped3A_409 : memref<!tpu.dma_semaphore, #tpu.memory_space<semaphore_mem>>) src(%dma_wait3A_419 : memref<632x128xf32, #tpu.memory_space<vmem_shared>>) dst(%dma_wait3A_417 : memref<632x128xf32, #tpu.memory_space<hbm>>)
      tpu.yield
    }) : () -> ()
    %mul3A_405 = arith.constant 640 : i32
    %mul3A_406 = arith.muli %arg1, %mul3A_405 : i32
    %mul3A_407 = arith.constant 640 : i32
    %mul3A_408 = arith.muli %arg1, %mul3A_407 : i32
    %run_scoped3A = arith.constant 0 : i32
    "tpu.region"() ({
      %run_scoped3A_409 = tpu.sem_alloc : memref<!tpu.dma_semaphore, #tpu.memory_space<semaphore_mem>>
      %dma_start3A_410 = tpu.memref_slice %arg8[%arg0, %run_scoped3A, %mul3A_408] : memref<2x1x10240xf32, #tpu.memory_space<hbm>> -> memref<1x1x640xf32, #tpu.memory_space<hbm>>
      %dma_start3A_411 = tpu.memref_squeeze %dma_start3A_410 : memref<1x1x640xf32, #tpu.memory_space<hbm>> -> memref<640xf32, #tpu.memory_space<hbm>>
      %dma_start3A_412 = tpu.memref_slice %arg10[%mul3A_406] : memref<10240xf32, #tpu.memory_space<vmem_shared>> -> memref<640xf32, #tpu.memory_space<vmem_shared>>
      tpu.enqueue_dma source(%dma_start3A_412 : memref<640xf32, #tpu.memory_space<vmem_shared>>) target(%dma_start3A_411 : memref<640xf32, #tpu.memory_space<hbm>>) target_semaphore(%run_scoped3A_409 : memref<!tpu.dma_semaphore, #tpu.memory_space<semaphore_mem>>)
      %dma_wait3A_413 = tpu.memref_slice %arg8[%arg0, %run_scoped3A, %mul3A_408] : memref<2x1x10240xf32, #tpu.memory_space<hbm>> -> memref<1x1x640xf32, #tpu.memory_space<hbm>>
      %dma_wait3A_414 = tpu.memref_squeeze %dma_wait3A_413 : memref<1x1x640xf32, #tpu.memory_space<hbm>> -> memref<640xf32, #tpu.memory_space<hbm>>
      %dma_wait3A_415 = tpu.memref_slice %arg10[%mul3A_406] : memref<10240xf32, #tpu.memory_space<vmem_shared>> -> memref<640xf32, #tpu.memory_space<vmem_shared>>
      tpu.wait_dma2 semaphore(%run_scoped3A_409 : memref<!tpu.dma_semaphore, #tpu.memory_space<semaphore_mem>>) src(%dma_wait3A_415 : memref<640xf32, #tpu.memory_space<vmem_shared>>) dst(%dma_wait3A_414 : memref<640xf32, #tpu.memory_space<hbm>>)
      tpu.yield
    }) : () -> ()
    return
  }
}

module attributes {stable_mosaic.version = 14 : i64} {
  func.func @body(%arg0: i32, %arg1: memref<2x80000xi32, #tpu.memory_space<vmem>>, %arg2: memref<15x128xi32, #tpu.memory_space<vmem>>, %arg3: memref<15x128xi32, #tpu.memory_space<vmem>>, %arg4: memref<640x128xi32, #tpu.memory_space<vmem>>, %arg5: memref<640x128xi32, #tpu.memory_space<vmem>>) attributes {dimension_semantics = [#tpu.dimension_semantics<arbitrary>], iteration_bounds = array<i64: 4>, scalar_prefetch = 0 : i64, scratch_operands = 0 : i64, tpu.core_type = #tpu.core_type<tc>, window_params = [{transform_indices = @transform_0, window_bounds = array<i64: 2, 80000>}, {pipeline_mode = #tpu.pipeline_mode<synchronous>, transform_indices = @transform_1, window_bounds = array<i64: 15, 128>}, {pipeline_mode = #tpu.pipeline_mode<synchronous>, transform_indices = @transform_2, window_bounds = array<i64: 15, 128>}, {transform_indices = @transform_3, window_bounds = array<i64: 640, 128>}, {transform_indices = @transform_4, window_bounds = array<i64: 640, 128>}]} {
    %get3A = arith.constant 0 : index
    %get3A_0 = arith.constant 0 : index
    %get3A_1 = vector.load %arg1[%get3A, %get3A_0] : memref<2x80000xi32, #tpu.memory_space<vmem>>, vector<1x80000xi32>
    %get3A_2 = vector.shape_cast %get3A_1 : vector<1x80000xi32> to vector<80000xi32>
    %reshape3A = vector.shape_cast %get3A_2 : vector<80000xi32> to vector<625x128xi32>
    %swap3A = arith.constant 0 : index
    %swap3A_3 = arith.constant 0 : index
    %swap3A_4 = vector.load %arg4[%swap3A, %swap3A_3] : memref<640x128xi32, #tpu.memory_space<vmem>>, vector<625x128xi32>
    tpu.vector_store %arg4[%swap3A, %swap3A_3], %reshape3A {strides = array<i32>} : memref<640x128xi32, #tpu.memory_space<vmem>>, vector<625x128xi32>,
    %get3A_5 = arith.constant 1 : index
    %get3A_6 = arith.constant 0 : index
    %get3A_7 = vector.load %arg1[%get3A_5, %get3A_6] : memref<2x80000xi32, #tpu.memory_space<vmem>>, vector<1x80000xi32>
    %get3A_8 = vector.shape_cast %get3A_7 : vector<1x80000xi32> to vector<80000xi32>
    %reshape3A_9 = vector.shape_cast %get3A_8 : vector<80000xi32> to vector<625x128xi32>
    %swap3A_10 = arith.constant 0 : index
    %swap3A_11 = arith.constant 0 : index
    %swap3A_12 = vector.load %arg5[%swap3A_10, %swap3A_11] : memref<640x128xi32, #tpu.memory_space<vmem>>, vector<625x128xi32>
    tpu.vector_store %arg5[%swap3A_10, %swap3A_11], %reshape3A_9 {strides = array<i32>} : memref<640x128xi32, #tpu.memory_space<vmem>>, vector<625x128xi32>,
    %get3A_13 = arith.constant 0 : index
    %get3A_14 = arith.constant 0 : index
    %get3A_15 = vector.load %arg2[%get3A_13, %get3A_14] : memref<15x128xi32, #tpu.memory_space<vmem>>, vector<15x128xi32>
    %swap3A_16 = arith.constant 625 : index
    %swap3A_17 = arith.constant 0 : index
    %swap3A_18 = vector.load %arg4[%swap3A_16, %swap3A_17] : memref<640x128xi32, #tpu.memory_space<vmem>>, vector<15x128xi32>
    tpu.vector_store %arg4[%swap3A_16, %swap3A_17], %get3A_15 {strides = array<i32>} : memref<640x128xi32, #tpu.memory_space<vmem>>, vector<15x128xi32>,
    %get3A_19 = arith.constant 0 : index
    %get3A_20 = arith.constant 0 : index
    %get3A_21 = vector.load %arg3[%get3A_19, %get3A_20] : memref<15x128xi32, #tpu.memory_space<vmem>>, vector<15x128xi32>
    %swap3A_22 = arith.constant 625 : index
    %swap3A_23 = arith.constant 0 : index
    %swap3A_24 = vector.load %arg5[%swap3A_22, %swap3A_23] : memref<640x128xi32, #tpu.memory_space<vmem>>, vector<15x128xi32>
    tpu.vector_store %arg5[%swap3A_22, %swap3A_23], %get3A_21 {strides = array<i32>} : memref<640x128xi32, #tpu.memory_space<vmem>>, vector<15x128xi32>,
    return
  }
  func.func @transform_0(%arg0: i32) -> (i32, i32) {
    %c0_i32 = arith.constant 0 : i32
    %c0_i32_0 = arith.constant 0 : i32
    return %c0_i32, %arg0 : i32, i32
  }
  func.func @transform_1(%arg0: i32) -> (i32, i32) {
    %c0_i32 = arith.constant 0 : i32
    %c0_i32_0 = arith.constant 0 : i32
    %c0_i32_1 = arith.constant 0 : i32
    return %c0_i32, %c0_i32_0 : i32, i32
  }
  func.func @transform_2(%arg0: i32) -> (i32, i32) {
    %c0_i32 = arith.constant 0 : i32
    %c0_i32_0 = arith.constant 0 : i32
    %c0_i32_1 = arith.constant 0 : i32
    return %c0_i32, %c0_i32_0 : i32, i32
  }
  func.func @transform_3(%arg0: i32) -> (i32, i32) {
    %c0_i32 = arith.constant 0 : i32
    %c0_i32_0 = arith.constant 0 : i32
    return %arg0, %c0_i32 : i32, i32
  }
  func.func @transform_4(%arg0: i32) -> (i32, i32) {
    %c0_i32 = arith.constant 0 : i32
    %c0_i32_0 = arith.constant 0 : i32
    return %arg0, %c0_i32 : i32, i32
  }
}

module attributes {stable_mosaic.version = 14 : i64} {
  func.func @body(%arg0: i32, %arg1: memref<1024x128xf32, #tpu.memory_space<vmem>>, %arg2: memref<128x128xf32, #tpu.memory_space<vmem>>, %arg3: memref<1x128xf32, #tpu.memory_space<vmem>>, %arg4: memref<1024x128xf32, #tpu.memory_space<vmem>>) attributes {dimension_semantics = [#tpu.dimension_semantics<arbitrary>], iteration_bounds = array<i64: 10>, scalar_prefetch = 0 : i64, scratch_operands = 0 : i64, tpu.core_type = #tpu.core_type<tc>, window_params = [{transform_indices = @transform_0, window_bounds = array<i64: 1024, 128>}, {pipeline_mode = #tpu.pipeline_mode<synchronous>, transform_indices = @transform_1, window_bounds = array<i64: 128, 128>}, {pipeline_mode = #tpu.pipeline_mode<synchronous>, transform_indices = @transform_2, window_bounds = array<i64: 1, 128>}, {transform_indices = @transform_3, window_bounds = array<i64: 1024, 128>}]} {
    %get3A = arith.constant 0 : index
    %get3A_0 = arith.constant 0 : index
    %get3A_1 = vector.load %arg1[%get3A, %get3A_0] : memref<1024x128xf32, #tpu.memory_space<vmem>>, vector<1024x128xf32>
    %get3A_2 = arith.constant 0 : index
    %get3A_3 = arith.constant 0 : index
    %get3A_4 = vector.load %arg2[%get3A_2, %get3A_3] : memref<128x128xf32, #tpu.memory_space<vmem>>, vector<128x128xf32>
    %dot_general3A = arith.constant dense<0.000000e+00> : vector<1024x128xf32>
    %dot_general3A_5 = tpu.matmul %get3A_1, %get3A_4, %dot_general3A {dimension_numbers = #tpu.dot_dimension_numbers<[1], [0], [0], [1], [0, 0, 1, 1], [], []>, transpose_lhs_hint = false} : vector<1024x128xf32>, vector<128x128xf32>, vector<1024x128xf32> -> vector<1024x128xf32>
    %get3A_6 = arith.constant 0 : index
    %get3A_7 = arith.constant 0 : index
    %get3A_8 = vector.load %arg3[%get3A_6, %get3A_7] : memref<1x128xf32, #tpu.memory_space<vmem>>, vector<1x128xf32>
    %add3A = vector.broadcast %get3A_8 : vector<1x128xf32> to vector<1024x128xf32>
    %add3A_9 = arith.addf %dot_general3A_5, %add3A : vector<1024x128xf32>
    %swap3A = arith.constant 0 : index
    %swap3A_10 = arith.constant 0 : index
    %swap3A_11 = vector.load %arg4[%swap3A, %swap3A_10] : memref<1024x128xf32, #tpu.memory_space<vmem>>, vector<1024x128xf32>
    tpu.vector_store %arg4[%swap3A, %swap3A_10], %add3A_9 {strides = array<i32>} : memref<1024x128xf32, #tpu.memory_space<vmem>>, vector<1024x128xf32>,
    return
  }
  func.func @transform_0(%arg0: i32) -> (i32, i32) {
    %c0_i32 = arith.constant 0 : i32
    %c0_i32_0 = arith.constant 0 : i32
    return %arg0, %c0_i32 : i32, i32
  }
  func.func @transform_1(%arg0: i32) -> (i32, i32) {
    %c0_i32 = arith.constant 0 : i32
    %c0_i32_0 = arith.constant 0 : i32
    %c0_i32_1 = arith.constant 0 : i32
    return %c0_i32, %c0_i32_0 : i32, i32
  }
  func.func @transform_2(%arg0: i32) -> (i32, i32) {
    %c0_i32 = arith.constant 0 : i32
    %c0_i32_0 = arith.constant 0 : i32
    %c0_i32_1 = arith.constant 0 : i32
    return %c0_i32, %c0_i32_0 : i32, i32
  }
  func.func @transform_3(%arg0: i32) -> (i32, i32) {
    %c0_i32 = arith.constant 0 : i32
    %c0_i32_0 = arith.constant 0 : i32
    return %arg0, %c0_i32 : i32, i32
  }
}

module attributes {stable_mosaic.version = 14 : i64} {
  func.func @body(%arg0: i32, %arg1: memref<2x1024x128xf32, #tpu.memory_space<vmem>>, %arg2: memref<2x1x1024xf32, #tpu.memory_space<vmem>>, %arg3: memref<1024x128xf32, #tpu.memory_space<vmem>>, %arg4: memref<128x128xf32, #tpu.memory_space<vmem>>, %arg5: memref<1024x128xf32, #tpu.memory_space<vmem>>) attributes {dimension_semantics = [#tpu.dimension_semantics<arbitrary>], iteration_bounds = array<i64: 10>, scalar_prefetch = 0 : i64, scratch_operands = 0 : i64, tpu.core_type = #tpu.core_type<tc>, window_params = [{transform_indices = @transform_0, window_bounds = array<i64: 2, 1024, 128>}, {transform_indices = @transform_1, window_bounds = array<i64: 2, 1, 1024>}, {transform_indices = @transform_2, window_bounds = array<i64: 1024, 128>}, {pipeline_mode = #tpu.pipeline_mode<synchronous>, transform_indices = @transform_3, window_bounds = array<i64: 128, 128>}, {transform_indices = @transform_4, window_bounds = array<i64: 1024, 128>}]} {
    %get3A = arith.constant 0 : index
    %get3A_0 = arith.constant 0 : index
    %get3A_1 = arith.constant 0 : index
    %get3A_2 = vector.load %arg1[%get3A, %get3A_0, %get3A_1] : memref<2x1024x128xf32, #tpu.memory_space<vmem>>, vector<1x1024x128xf32>
    %get3A_3 = vector.shape_cast %get3A_2 : vector<1x1024x128xf32> to vector<1024x128xf32>
    %get3A_4 = arith.constant 1 : index
    %get3A_5 = arith.constant 0 : index
    %get3A_6 = arith.constant 0 : index
    %get3A_7 = vector.load %arg1[%get3A_4, %get3A_5, %get3A_6] : memref<2x1024x128xf32, #tpu.memory_space<vmem>>, vector<1x1024x128xf32>
    %get3A_8 = vector.shape_cast %get3A_7 : vector<1x1024x128xf32> to vector<1024x128xf32>
    %add3A = arith.addf %get3A_3, %get3A_8 : vector<1024x128xf32>
    %get3A_9 = arith.constant 0 : index
    %get3A_10 = arith.constant 0 : index
    %get3A_11 = arith.constant 0 : index
    %get3A_12 = vector.load %arg2[%get3A_9, %get3A_10, %get3A_11] : memref<2x1x1024xf32, #tpu.memory_space<vmem>>, vector<1x1x1024xf32>
    %get3A_13 = vector.shape_cast %get3A_12 : vector<1x1x1024xf32> to vector<1024xf32>
    %get3A_14 = arith.constant 1 : index
    %get3A_15 = arith.constant 0 : index
    %get3A_16 = arith.constant 0 : index
    %get3A_17 = vector.load %arg2[%get3A_14, %get3A_15, %get3A_16] : memref<2x1x1024xf32, #tpu.memory_space<vmem>>, vector<1x1x1024xf32>
    %get3A_18 = vector.shape_cast %get3A_17 : vector<1x1x1024xf32> to vector<1024xf32>
    %add3A_19 = arith.addf %get3A_13, %get3A_18 : vector<1024xf32>
    %max3A = arith.constant 1.000000e+00 : f32
    %max3A_20 = vector.broadcast %max3A : f32 to vector<1024xf32>
    %max3A_21 = arith.maximumf %add3A_19, %max3A_20 : vector<1024xf32>
    %broadcast_in_dim3A = vector.shape_cast %max3A_21 : vector<1024xf32> to vector<1024x1xf32>
    %div3A = vector.broadcast %broadcast_in_dim3A : vector<1024x1xf32> to vector<1024x128xf32>
    %div3A_22 = arith.divf %add3A, %div3A : vector<1024x128xf32>
    %get3A_23 = arith.constant 0 : index
    %get3A_24 = arith.constant 0 : index
    %get3A_25 = vector.load %arg4[%get3A_23, %get3A_24] : memref<128x128xf32, #tpu.memory_space<vmem>>, vector<128x128xf32>
    %dot_general3A = arith.constant dense<0.000000e+00> : vector<1024x128xf32>
    %dot_general3A_26 = tpu.matmul %div3A_22, %get3A_25, %dot_general3A {dimension_numbers = #tpu.dot_dimension_numbers<[1], [0], [0], [1], [0, 0, 1, 1], [], []>, transpose_lhs_hint = false} : vector<1024x128xf32>, vector<128x128xf32>, vector<1024x128xf32> -> vector<1024x128xf32>
    %get3A_27 = arith.constant 0 : index
    %get3A_28 = arith.constant 0 : index
    %get3A_29 = vector.load %arg3[%get3A_27, %get3A_28] : memref<1024x128xf32, #tpu.memory_space<vmem>>, vector<1024x128xf32>
    %add3A_30 = arith.addf %dot_general3A_26, %get3A_29 : vector<1024x128xf32>
    %swap3A = arith.constant 0 : index
    %swap3A_31 = arith.constant 0 : index
    %swap3A_32 = vector.load %arg5[%swap3A, %swap3A_31] : memref<1024x128xf32, #tpu.memory_space<vmem>>, vector<1024x128xf32>
    tpu.vector_store %arg5[%swap3A, %swap3A_31], %add3A_30 {strides = array<i32>} : memref<1024x128xf32, #tpu.memory_space<vmem>>, vector<1024x128xf32>,
    return
  }
  func.func @transform_0(%arg0: i32) -> (i32, i32, i32) {
    %c0_i32 = arith.constant 0 : i32
    %c0_i32_0 = arith.constant 0 : i32
    %c0_i32_1 = arith.constant 0 : i32
    return %c0_i32, %arg0, %c0_i32_0 : i32, i32, i32
  }
  func.func @transform_1(%arg0: i32) -> (i32, i32, i32) {
    %c0_i32 = arith.constant 0 : i32
    %c0_i32_0 = arith.constant 0 : i32
    %c0_i32_1 = arith.constant 0 : i32
    return %c0_i32, %c0_i32_0, %arg0 : i32, i32, i32
  }
  func.func @transform_2(%arg0: i32) -> (i32, i32) {
    %c0_i32 = arith.constant 0 : i32
    %c0_i32_0 = arith.constant 0 : i32
    return %arg0, %c0_i32 : i32, i32
  }
  func.func @transform_3(%arg0: i32) -> (i32, i32) {
    %c0_i32 = arith.constant 0 : i32
    %c0_i32_0 = arith.constant 0 : i32
    %c0_i32_1 = arith.constant 0 : i32
    return %c0_i32, %c0_i32_0 : i32, i32
  }
  func.func @transform_4(%arg0: i32) -> (i32, i32) {
    %c0_i32 = arith.constant 0 : i32
    %c0_i32_0 = arith.constant 0 : i32
    return %arg0, %c0_i32 : i32, i32
  }
}

</mosaic_0001>

<sc_bundles>
// kernel: kernel.6.cloned.1.call-start
scs
__scs_entry_jumppad:
0x0: {  	(pc) =	sbr.rel $0x88, $3  }
0x1: {  	(tag) =	ssettag $0x0;
	lr =	simm.s32 $0x1  }
0x2: {  	[smem:$0x3F9C] =	sst lr;
	_ =	strace $0xD0000000  }
0x3: {  	_ = 	snop  }
0x4: {  	_ = 	snop  }
0x5: {  	_ = 	snop  }
0x6: {  	_ = 	snop  }
0x7: {  	_ = 	snop  }
__scs_overlays_trampoline_lowered:
0x8: {  	[smem:$0x3FAB] =	sst s0  }
0x9: {  	[smem:$0x3FAC] =	sst s1  }
0xa: {  	[smem:$0x3FAD] =	sst s2  }
0xb: {  	[smem:$0x3FAE] =	sst s3  }
0xc: {  	[smem:$0x3FAF] =	sst s4  }
0xd: {  	[smem:$0x3FB0] =	sst s5  }
0xe: {  	[smem:$0x3FB1] =	sst s6  }
0xf: {  	[smem:$0x3FB2] =	sst s7  }
0x10: {  	[smem:$0x3FB3] =	sst s8  }
0x11: {  	[smem:$0x3FB4] =	sst s9;
	s0 =	simm.s32 @!p0 $0x0  }
0x12: {  	s1 =	sld [smem:$0x3F9A];
	s0 =	simm.s32 @p0 $0x1  }
0x13: {  	[smem:$0x3FB5] =	sst s0;
	s0 =	simm.s32 @!p1 $0x0  }
0x14: {  	s2 =	sld [smem:$0x3F99];
	s0 =	simm.s32 @p1 $0x1  }
0x15: {  	[smem:$0x3FB6] =	sst s0;
	s0 =	simm.s32 @!p2 $0x0  }
0x16: {  	s3 =	sld [smem:$0x3FDB];
	s0 =	simm.s32 @p2 $0x1  }
0x17: {  	s4 =	simm.s32 $0x1BF5;
	[smem:$0x3FB8] =	sst s0  }
0x18: {  	s0 =	sld [smem:$0x3F9B];
	_ =	swait.ge [sflag:s4], $0x0  }
0x19: {  	s7 =	sld [smem:$0x3F9C]  }
0x1a: {  	s8 =	sadd.s32 $0xFFFFE003, lr  }
0x1b: {  	s9 =	sadd.s32 $0xFFFFFEF7, lr;
	s5 =	simm.s32 $0xFFFFFFFF;
	p2 =	slt.u32 s8, $0xFFFFF086  }
0x1c: {  	p1 =	slt.u32 s9, $0xF7A;
	s5 =	simm.s32 @!p2 $0x0  }
0x1d: {  	s5 =	simm.s32 @p1 $0x1;
	p0 =	seq.s32 s7, s2  }
0x1e: {  	s7 =	smul.u32 @!p0 $0xF7A, s2;
	p2 =	seq.s32 @!p0 s5, $0x0  }
0x1f: {  	s9 =	smul.u32 $0xF7A, s1;
	s8 =	simm.s32 @!p0 $0x1BF5;
	p2 =	por !p2, p0  }
0x20: {  	[sflag:s8] =	ssyncset.s32 @!p0 $0xFFFFF086;
	s6 =	sadd.s32 @!p0 s3, s7;
	s7 =	simm.s32 @!p0 $0x108  }
0x21: {  	s3 =	sadd.s32 s3, s9;
	s6 =	sadd.s32 @!p0 $0x88, s6;
	s7 =	simm.s32 @p2 $0x1082  }
0x22: {  	[simem:s7], [sflag:s8] =	dma.local @!p0 [hbm:s6], $0xF7A  }
0x23: {  	s9 =	sor.u32 $0xD0000000, s2;
	s6 =	simm.s32 $0x108;
	_ =	swait.ge @!p0 [sflag:s8], $0x0  }
0x24: {  	s3 =	sadd.s32 $0x88, s3;
	s6 =	simm.s32 @!p1 $0x1082;
	[sflag:s4] =	ssyncset.s32 $0xFFFFF086  }
0x25: {  	[simem:s6], [sflag:s4] =	dma.local [hbm:s3], $0xF7A  }
0x26: {  	[smem:$0x3F9C] =	sst s1;
	(tag) =	ssettag s2;
	_ =	strace s9  }
0x27: {  	s1 =	sld [smem:$0x3FAC]  }
0x28: {  	s2 =	sld [smem:$0x3FAD]  }
0x29: {  	s4 =	sld [smem:$0x3FAF]  }
0x2a: {  	p0 =	seq.s32 s5, $0x0;
	s5 =	sld [smem:$0x3FB0]  }
0x2b: {  	s6 =	sld [smem:$0x3FB1]  }
0x2c: {  	s7 =	sld [smem:$0x3FB2]  }
0x2d: {  	s3 =	simm.s32 $0x108;
	s8 =	sld [smem:$0x3FB3]  }
0x2e: {  	s3 =	simm.s32 @!p0 $0x1082;
	s9 =	sld [smem:$0x3FB4]  }
0x2f: {  	lr =	sadd.s32 s0, s3;
	s0 =	sld [smem:$0x3FAB]  }
0x30: {  	s3 =	sld [smem:$0x3FAE]  }
0x31: {  	[smem:$0x3FB7] =	sst s10  }
0x32: {  	s10 =	sld [smem:$0x3FB5];
	_ =	sdelay $0x3  }
0x33: {  	p0 =	seq.s32 s10, $0x1;
	s10 =	sld [smem:$0x3FB7];
	_ =	sdelay $0x3  }
0x34: {  	[smem:$0x3FB7] =	sst s10  }
0x35: {  	s10 =	sld [smem:$0x3FB6];
	_ =	sdelay $0x3  }
0x36: {  	p1 =	seq.s32 s10, $0x1;
	s10 =	sld [smem:$0x3FB7];
	_ =	sdelay $0x3  }
0x37: {  	[smem:$0x3FB7] =	sst s10  }
0x38: {  	s10 =	sld [smem:$0x3FB8]  }
0x39: {  	_ = 	snop;
	(pc) =	sbr.ind lr, $3  }
0x3a: {  	_ = 	snop  }
0x3b: {  	_ = 	snop  }
0x3c: {  	p2 =	seq.s32 s10, $0x1;
	s10 =	sld [smem:$0x3FB7]  }
0x3d: {  	_ =	shalt  }
0x3e: {  	_ =	shalt  }
0x3f: {  	_ =	shalt  }
0x40: {  	_ =	shalt  }
0x41: {  	_ =	shalt  }
0x42: {  	_ =	shalt  }
0x43: {  	_ =	shalt  }
0x44: {  	_ =	shalt  }
0x45: {  	_ =	shalt  }
0x46: {  	_ =	shalt  }
0x47: {  	_ =	shalt  }
0x48: {  	_ =	shalt  }
0x49: {  	_ =	shalt  }
0x4a: {  	_ =	shalt  }
0x4b: {  	_ =	shalt  }
0x4c: {  	_ =	shalt  }
0x4d: {  	_ =	shalt  }
0x4e: {  	_ =	shalt  }
0x4f: {  	_ =	shalt  }
0x50: {  	_ =	shalt  }
0x51: {  	_ =	shalt  }
0x52: {  	_ =	shalt  }
0x53: {  	_ =	shalt  }
0x54: {  	_ =	shalt  }
0x55: {  	_ =	shalt  }
0x56: {  	_ =	shalt  }
0x57: {  	_ =	shalt  }
0x58: {  	_ =	shalt  }
0x59: {  	_ =	shalt  }
0x5a: {  	_ =	shalt  }
0x5b: {  	_ =	shalt  }
0x5c: {  	_ =	shalt  }
0x5d: {  	_ =	shalt  }
0x5e: {  	_ =	shalt  }
0x5f: {  	_ =	shalt  }
0x60: {  	_ =	shalt  }
0x61: {  	_ =	shalt  }
0x62: {  	_ =	shalt  }
0x63: {  	_ =	shalt  }
0x64: {  	_ =	shalt  }
0x65: {  	_ =	shalt  }
0x66: {  	_ =	shalt  }
0x67: {  	_ =	shalt  }
0x68: {  	_ =	shalt  }
0x69: {  	_ =	shalt  }
0x6a: {  	_ =	shalt  }
0x6b: {  	_ =	shalt  }
0x6c: {  	_ =	shalt  }
0x6d: {  	_ =	shalt  }
0x6e: {  	_ =	shalt  }
0x6f: {  	_ =	shalt  }
0x70: {  	_ =	shalt  }
0x71: {  	_ =	shalt  }
0x72: {  	_ =	shalt  }
0x73: {  	_ =	shalt  }
0x74: {  	_ =	shalt  }
0x75: {  	_ =	shalt  }
0x76: {  	_ =	shalt  }
0x77: {  	_ =	shalt  }
0x78: {  	_ =	shalt  }
0x79: {  	_ =	shalt  }
0x7a: {  	_ =	shalt  }
0x7b: {  	_ =	shalt  }
0x7c: {  	_ =	shalt  }
0x7d: {  	_ =	shalt  }
0x7e: {  	_ =	shalt  }
0x7f: {  	_ =	shalt  }
0x80: {  	_ =	shalt  }
0x81: {  	_ =	shalt  }
0x82: {  	_ =	shalt  }
0x83: {  	_ =	shalt  }
0x84: {  	_ =	shalt  }
0x85: {  	_ =	shalt  }
0x86: {  	_ =	shalt  }
0x87: {  	_ =	shalt  }
.Lfunc_end0:
.L_simem_size_0:
called_computation_lowered:
.L_overlay_start_0:
0x88: {  	s2 =	sld [smem:$0x3FD9]  }
0x89: {  	s3 =	sld [smem:$0x3FFE];
	_ =	sdelay $0x1  }
0x8a: {  	s1 =	srdreg.scid  }
0x8b: {  	s0 =	sand.u32 $0x1, s1  }
0x8c: {  	s17 =	sshll.u32 s0, $0xA;
	s2 =	sadd.s32 s3, s2  }
0x8d: {  	s2 =	sadd.s32 s2, s17  }
0x8e: {  	[smem:$0x3FC3] =	sst s2  }
0x8f: {  	_ = 	snop  }
0x90: {  	s2 =	sld [smem:$0x3FC9]  }
0x91: {  	s18 =	sld [smem:$0x3FD0];
	(tm) =	ssettm $0x1  }
0x92: {  	s4 =	sld [smem:$0x3FFB];
	_ =	sdelay $0x3  }
0x93: {  	_ =	strace s4  }
0x94: {  	s4 =	sld [smem:$0x3FFC];
	_ =	sdelay $0x3  }
0x95: {  	_ =	strace s4  }
0x96: {  	s4 =	sld [smem:$0x3FFD];
	_ =	sdelay $0x3  }
0x97: {  	_ =	strace s4  }
0x98: {  	_ =	strace $0x8FFFFFFF  }
0x99: {  	s19 =	sld [smem:$0x3FDB];
	_ =	sdelay $0x1  }
0x9a: {  	s5 =	simm.s32 $_scs_section_size  }
0x9b: {  	s6 =	simm.s32 $_size__tile_overlayer_lowered;
	s7 =	simm.s32 $_tile_overlayer_lowered  }
0x9c: {  	s22 =	simm.s32 $0x1BFF;
	s21 =	sshll.u32 s7, $0x1;
	s4 =	sadd.s32 s5, s19  }
0x9d: {  	s8 =	simm.s32 $0x0;
	s20 =	sshll.u32 s6, $0x1;
	s6 =	sadd.s32 s21, s4  }
0x9e: {  	[timem:s8], [sflag:s22] =	dma.local [hbm:s6], s20  }
0x9f: {  	_ =	swait.ge [sflag:s22], s20  }
0xa0: {  	s5 =	ssub.s32 $0x0, s20;
	[sflag:s22] =	ssyncset.done $0x0  }
0xa1: {  	[sflag:s22] =	ssyncadd.s32 s5;
	_ =	sdelay $0x1  }
0xa2: {  	s23 =	simm.s32 $0x1B8B  }
0xa3: {  	_ =	swait.ge [sflag:s23], $0x1  }
0xa4: {  	[sflag:s23] =	ssyncset.done $0x0  }
0xa5: {  	s25 =	simm.s32 $0x1B8E;
	s24 =	sld [smem:$0x3FFE];
	[sflag:s23] =	ssyncadd.s32 $0xFFFFFFFF  }
0xa6: {  	s26 =	simm.s32 $execute0_lowered;
	[smem:$0x3FD2] =	sst s25  }
0xa7: {  	s6 =	sshll.u32 s26, $0x1;
	_ =	strace $0x80000046;
	[dreg:$0x1] =	wrdreg $0xFFFFFFFF  }
0xa8: {  	s28 =	simm.s32 $_size_execute0_lowered;
	s4 =	sadd.s32 s4, s6;
	[dreg:$0x0] =	wrdreg $0x0  }
0xa9: {  	s6 =	sshll.u32 s28, $0x1;
	[dreg:$0x2] =	wrdreg s4  }
0xaa: {  	[dreg:$0x3] =	wrdreg s6  }
0xab: {  	[dreg:$0x4] =	wrdreg $0xC0  }
0xac: {  	_ =	task [dreg:s8], $0x5FFFF  }
0xad: {  	[dreg:$0x1] =	wrdreg $0xFFFFFFFF  }
0xae: {  	[dreg:$0x0] =	wrdreg $0x60  }
0xaf: {  	[dreg:$0x2] =	wrdreg s2  }
0xb0: {  	[dreg:$0x3] =	wrdreg s18  }
0xb1: {  	[dreg:$0x4] =	wrdreg s24  }
0xb2: {  	[dreg:$0x5] =	wrdreg $0x0  }
0xb3: {  	[dreg:$0x6] =	wrdreg $0x13C000  }
0xb4: {  	[dreg:$0x7] =	wrdreg $0x9  }
0xb5: {  	_ =	task.clear_ibuf [dreg:s8], $0x8FFFF;
	_ =	strace $0x90000046  }
0xb6: {  	s29 =	simm.s32 $0x9;
	_ =	strace $0x80000048  }
0xb7: {  	_ =	swait.ge [sflag:s29], $0x1  }
0xb8: {  	[sflag:s29] =	ssyncadd.s32 $0xFFFFFFFF  }
0xb9: {  	_ =	strace $0x90000048  }
0xba: {  	_ =	sfence  }
0xbb: {  	s30 =	sld [smem:$0x0];
	_ =	sdelay $0x2  }
0xbc: {  	s31 =	sshll.u32 s1, $0xD;
	s1 =	sshrl.u32 s1, $0x2  }
0xbd: {  	s3 =	sand.u32 $0x4000, s31;
	s1 =	sadd.s32 s1, s30  }
0xbe: {  	s0 =	sor.u32 s3, s0;
	s1 =	sshll.u32 s1, $0x11  }
0xbf: {  	s0 =	sor.u32 s1, s0  }
0xc0: {  	s0 =	sadd.s32 $0x8F2B, s0  }
0xc1: {  	[sflag:s0] =	ssyncadd.remote.s32 $0x1  }
0xc2: {  	_ =	sfence.sel $0xFFFF  }
0xc3: {  	[dreg:$0x0] =	wrdreg $0xFFFFFFFF;
	(pc) =	sbr.abs _section_cstart, $3  }
0xc4: {  	[dreg:$0x1] =	wrdreg $0xFFFFFFFF  }
0xc5: {  	_ =	task.clear_ibuf [dreg:s8], $0x2FFFF;
	_ =	strace $0x9FFFFFFF  }
0xc6: {  	(tm) =	ssettm $0x7FFFFFFF  }
0xc7: {  	_ =	shalt  }
tec
execute0_lowered:
.L_overlay_start_1:
0x0: {  	(tag) =	ssettag $0x1  }
0x1: {  	s0 =	rddreg [dreg:$0x0]  }
0x2: {  	s1 =	rddreg [dreg:$0x1]  }
0x3: {  	s2 =	rddreg [dreg:$0x2]  }
0x4: {  	s3 =	rddreg [dreg:$0x3]  }
0x5: {  	s5 =	srdreg.scid;
	s4 =	rddreg [dreg:$0x4]  }
0x6: {  	s13 =	stileid.u32;
	s17 =	simm.s32 $0x13E80;
	s28 =	simm.s32 $0x1A680  }
0x7: {  	s29 =	simm.s32 $0x1;
	s30 =	simm.s32 $0x1E680;
	s31 =	simm.s32 $0x3  }
0x8: {  	s7 =	sand.u32 $0x1, s5;
	s5 =	simm.s32 $0x0;
	s9 =	smul.u32 $0x13C00, s13  }
0x9: {  	s11 =	smul.u32 $0x280, s13;
	s12 =	sadd.s32 $0x2400, s2;
	s6 =	sadd.s32 $0xC600, s2  }
0xa: {  	s18 =	sadd.s32 $0xC400, s2;
	s8 =	smul.u32 $0x13C000, s7;
	[smem:$0x7FF] =	sst s5  }
0xb: {  	s10 =	smul.u32 $0x2800, s7;
	s20 =	sshll.u32 s7, $0x4;
	s7 =	ssub.s32 $0x2, s7  }
0xc: {  	_ =	strace $0x80000047;
	[dreg:$0x6] =	wrdreg s18;
	s21 =	sshrl.u32 s7, $0x1  }
0xd: {  	s18 =	simm.s32 $0x7;
	s8 =	sadd.s32 s9, s8;
	s19 =	sadd.s32 s11, s10  }
0xe: {  	s10 =	sor.u32 s13, s20;
	s13 =	smul.u32 $0x4F000, s13;
	s7 =	ssub.s32 s7, s21  }
0xf: {  	s11 =	sadd.s32 s11, s4;
	s8 =	sshrl.u32 s8, $0x3;
	s14 =	smul.u32 $0x500, s10  }
0x10: {  	s9 =	sshrl.u32 s19, $0x3;
	s23 =	smul.u32 $0x2800, s10;
	[dreg:$0x9] =	wrdreg s11  }
0x11: {  	s11 =	simm.s32 $0x6;
	s8 =	sadd.s32 s8, s2;
	s2 =	sadd.s32 s9, s2  }
0x12: {  	s22 =	sshrl.u32 s13, $0x2;
	s24 =	sadd.s32 s1, s14;
	s25 =	sadd.s32 s12, s14  }
0x13: {  	s10 =	sadd.s32 s22, s3;
	s13 =	sshrl.u32 s23, $0x3;
	s20 =	sadd.s32 $0xCE00, s8  }
0x14: {  	s21 =	sadd.s32 $0x5BE00, s2;
	s22 =	smax.u32 s7, $0x1;
	s2 =	simm.s32 $0x2  }
0x15: {  	s7 =	simm.s32 $0x15300;
	s8 =	simm.s32 $0x4;
	[dreg:$0x7] =	wrdreg s24  }
0x16: {  	s14 =	simm.s32 $0x16600;
	[dreg:$0x8] =	wrdreg s25;
	s9 =	sadd.s32 $0x4000, s10  }
0x17: {  	s26 =	sadd.s32 $0x8000, s10;
	s15 =	sadd.s32 $0xC000, s10;
	[dreg:$0xc] =	wrdreg s20  }
0x18: {  	s16 =	sadd.s32 $0x10000, s10;
	s13 =	sadd.s32 $0x280, s13;
	[dreg:$0xd] =	wrdreg s21  }
0x19: {  	[dreg:$0xe] =	wrdreg s22;
	s20 =	simm.s32 $0x80;
	s1 =	sadd.s32 s1, s13  }
0x1a: {  	s21 =	simm.s32 $0x16680;
	s19 =	sadd.s32 s12, s13;
	[dreg:$0xa] =	wrdreg s1  }
0x1b: {  	s23 =	sshrl.u32 s9, $0x3;
	s24 =	sshrl.u32 s26, $0x3;
	[dreg:$0xb] =	wrdreg s19  }
0x1c: {  	s25 =	sshrl.u32 s15, $0x3;
	s26 =	sshrl.u32 s16, $0x3;
	[dreg:$0xf] =	wrdreg s23  }
0x1d: {  	s9 =	simm.s32 $0x5;
	s12 =	simm.s32 $0x15200;
	[dreg:$0x10] =	wrdreg s24  }
0x1e: {  	s13 =	simm.s32 $0x16580;
	s15 =	simm.s32 $0x0;
	[dreg:$0x11] =	wrdreg s25  }
0x1f: {  	v0 =	vimm.f32 $1.000000000e+00;
	s19 =	simm.s32 $0x15280;
	[dreg:$0x12] =	wrdreg s26;
	s1 =	simm.s32 $0x13F80  }
.LBB2_1:
0x20: {  	s16 =	rddreg [dreg:$0x7]  }
0x21: {  	[tilespmem:s17], [sflag:$0x7] =	stream.linear.gather [hbm4b:s16+s5], $0x1400, $0x38;
	[tilespmem:$0x1E700] =	vst v63  }
0x22: {  	_ =	swait.ge [sflag:s18], $0x1400  }
0x23: {  	[sflag:s18] =	ssyncset.done $0x0  }
0x24: {  	s26 =	rddreg [dreg:$0x8];
	[sflag:s18] =	ssyncadd.s32 $0xFFFFEC00  }
0x25: {  	[tilespmem:s19], [sflag:$0x7] =	stream.linear.gather [hbm4b:s26+s5], $0x1400, $0x38;
	[tilespmem:$0x1E700] =	vst v63  }
0x26: {  	_ =	swait.ge [sflag:s18], $0x1400  }
0x27: {  	[sflag:s18] =	ssyncset.done $0x0  }
0x28: {  	[sflag:s18] =	ssyncadd.s32 $0xFFFFEC00  }
0x29: {  	[tilespmem:$0x1E680] =	vst v0  }
0x2a: {  	[tilespmem:$0x1E690] =	vst v0  }
0x2b: {  	[tilespmem:$0x1E6A0] =	vst v0  }
0x2c: {  	[tilespmem:$0x1E6B0] =	vst v0  }
0x2d: {  	[tilespmem:$0x1E6C0] =	vst v0  }
0x2e: {  	[tilespmem:$0x1E6D0] =	vst v0  }
0x2f: {  	s23 =	stileid.u32;
	[tilespmem:$0x1E6E0] =	vst v0  }
0x30: {  	s16 =	sshll.u32 s23, $0x6;
	[tilespmem:$0x1E6F0] =	vst v0  }
0x31: {  	[tilespmem:s21], [sflag:$0x1] =	stream.indirect.gather [hbm4b:s0+s20], $0x80, s17, s20, $0xb8;
	[tilespmem:$0x1E700] =	vst v63  }
0x32: {  	s22 =	simm.s32 $0x13F00;
	s16 =	sor.u32 $0x1C07, s16;
	s26 =	sshrl.u32 s10, $0x3  }
0x33: {  	[tilespmem:s28], [sflag:$0x2] =	stream.indirect.gather [hbm4b:s0+s20], $0x80, s22, s20, $0xb8;
	[tilespmem:$0x1E700] =	vst v63  }
0x34: {  	[spmem:s26], [sflag:s16] =	dma.local [hbm:s6], $0x800  }
0x35: {  	_ =	swait.ge [sflag:s18], $0x800  }
0x36: {  	[sflag:s18] =	ssyncset.done $0x0  }
0x37: {  	s22 =	rddreg [dreg:$0xf];
	[sflag:s18] =	ssyncadd.s32 $0xFFFFF800  }
0x38: {  	[spmem:s22], [sflag:s16] =	dma.local [hbm:s6], $0x800  }
0x39: {  	_ =	swait.ge [sflag:s18], $0x800  }
0x3a: {  	[sflag:s18] =	ssyncset.done $0x0  }
0x3b: {  	s24 =	rddreg [dreg:$0x10];
	[sflag:s18] =	ssyncadd.s32 $0xFFFFF800  }
0x3c: {  	[spmem:s24], [sflag:s16] =	dma.local [hbm:s6], $0x800  }
0x3d: {  	_ =	swait.ge [sflag:s18], $0x800  }
0x3e: {  	[sflag:s18] =	ssyncset.done $0x0  }
0x3f: {  	s25 =	rddreg [dreg:$0x11];
	[sflag:s18] =	ssyncadd.s32 $0xFFFFF800  }
0x40: {  	[spmem:s25], [sflag:s16] =	dma.local [hbm:s6], $0x800  }
0x41: {  	_ =	swait.ge [sflag:s18], $0x800  }
0x42: {  	[sflag:s18] =	ssyncset.done $0x0  }
0x43: {  	s23 =	rddreg [dreg:$0x12];
	[sflag:s18] =	ssyncadd.s32 $0xFFFFF800  }
0x44: {  	[spmem:s23], [sflag:s16] =	dma.local [hbm:s6], $0x780  }
0x45: {  	_ =	swait.ge [sflag:s18], $0x780  }
0x46: {  	[sflag:s18] =	ssyncset.done $0x0;
	s24 =	rddreg [dreg:$0x9]  }
0x47: {  	s23 =	rddreg [dreg:$0x6];
	[sflag:s18] =	ssyncadd.s32 $0xFFFFF880;
	s22 =	sshrl.u32 s24, $0x3  }
0x48: {  	[spmem:s22], [sflag:s16] =	dma.local [hbm:s23], $0x50  }
0x49: {  	_ =	swait.ge [sflag:s18], $0x50  }
0x4a: {  	[sflag:s18] =	ssyncset.done $0x0  }
0x4b: {  	[sflag:s18] =	ssyncadd.s32 $0xFFFFFFB0  }
0x4c: {  	[bflag:$0x0] =	sbarrier.arrive $0xFFFF  }
0x4d: {  	_ =	swait.ge [sflag:s29], $0x4000  }
0x4e: {  	[sflag:s29] =	ssyncset.done $0x0  }
0x4f: {  	[sflag:s29] =	ssyncadd.s32 $0xFFFFC000  }
0x50: {  	[spmem:s3] =	stream.indirect.scatter.add.f32 [tilespmem:s21], [sflag:$0x3], $0x80, s19, s20, $0xb8;
	[tilespmem:$0x1E700] =	vst v63  }
0x51: {  	_ = 	snop  }
0x52: {  	[spmem:s4] =	stream.indirect.scatter.add.f32 [tilespmem:s30], [sflag:$0x5], $0x1, s19, s20, $0xb8;
	[tilespmem:$0x1E700] =	vst v63  }
0x53: {  	_ =	swait.ge [sflag:s31], $0x4000  }
0x54: {  	[sflag:s31] =	ssyncset.done $0x0  }
0x55: {  	[sflag:s31] =	ssyncadd.s32 $0xFFFFC000  }
0x56: {  	[tilespmem:s21], [sflag:$0x1] =	stream.indirect.gather [hbm4b:s0+s20], $0x80, s1, s20, $0xb8;
	[tilespmem:$0x1E700] =	vst v63  }
0x57: {  	_ =	swait.ge [sflag:s2], $0x4000  }
0x58: {  	[sflag:s2] =	ssyncset.done $0x0  }
0x59: {  	[sflag:s2] =	ssyncadd.s32 $0xFFFFC000  }
0x5a: {  	[spmem:s3] =	stream.indirect.scatter.add.f32 [tilespmem:s28], [sflag:$0x4], $0x80, s7, s20, $0xb8;
	[tilespmem:$0x1E700] =	vst v63  }
0x5b: {  	_ = 	snop  }
0x5c: {  	[spmem:s4] =	stream.indirect.scatter.add.f32 [tilespmem:s30], [sflag:$0x6], $0x1, s7, s20, $0xb8;
	[tilespmem:$0x1E700] =	vst v63  }
0x5d: {  	_ =	swait.ge [sflag:s8], $0x4000  }
0x5e: {  	[sflag:s8] =	ssyncset.done $0x0  }
0x5f: {  	s25 =	simm.s32 $0x14000;
	[sflag:s8] =	ssyncadd.s32 $0xFFFFC000  }
0x60: {  	[tilespmem:s28], [sflag:$0x2] =	stream.indirect.gather [hbm4b:s0+s20], $0x80, s25, s20, $0xb8;
	[tilespmem:$0x1E700] =	vst v63  }
0x61: {  	_ =	swait.ge [sflag:s9], $0x80  }
0x62: {  	[sflag:s9] =	ssyncset.done $0x0  }
0x63: {  	[sflag:s9] =	ssyncadd.s32 $0xFFFFFF80  }
0x64: {  	_ =	swait.ge [sflag:s29], $0x4000  }
0x65: {  	[sflag:s29] =	ssyncset.done $0x0  }
0x66: {  	s24 =	simm.s32 $0x15380;
	[sflag:s29] =	ssyncadd.s32 $0xFFFFC000  }
0x67: {  	[spmem:s3] =	stream.indirect.scatter.add.f32 [tilespmem:s21], [sflag:$0x3], $0x80, s24, s20, $0xb8;
	[tilespmem:$0x1E700] =	vst v63  }
0x68: {  	_ = 	snop  }
0x69: {  	[spmem:s4] =	stream.indirect.scatter.add.f32 [tilespmem:s30], [sflag:$0x5], $0x1, s24, s20, $0xb8;
	[tilespmem:$0x1E700] =	vst v63  }
0x6a: {  	_ =	swait.ge [sflag:s31], $0x4000  }
0x6b: {  	[sflag:s31] =	ssyncset.done $0x0  }
0x6c: {  	s25 =	simm.s32 $0x14080;
	[sflag:s31] =	ssyncadd.s32 $0xFFFFC000  }
0x6d: {  	[tilespmem:s21], [sflag:$0x1] =	stream.indirect.gather [hbm4b:s0+s20], $0x80, s25, s20, $0xb8;
	[tilespmem:$0x1E700] =	vst v63  }
0x6e: {  	_ =	swait.ge [sflag:s11], $0x80  }
0x6f: {  	[sflag:s11] =	ssyncset.done $0x0  }
0x70: {  	[sflag:s11] =	ssyncadd.s32 $0xFFFFFF80  }
0x71: {  	_ =	swait.ge [sflag:s2], $0x4000  }
0x72: {  	[sflag:s2] =	ssyncset.done $0x0  }
0x73: {  	s23 =	simm.s32 $0xFFFFBC00;
	s24 =	simm.s32 $0x15400;
	[sflag:s2] =	ssyncadd.s32 $0xFFFFC000  }
0x74: {  	[spmem:s3] =	stream.indirect.scatter.add.f32 [tilespmem:s28], [sflag:$0x4], $0x80, s24, s20, $0xb8;
	[tilespmem:$0x1E700] =	vst v63  }
.LBB2_2:
0x75: {  	[spmem:s4] =	stream.indirect.scatter.add.f32 [tilespmem:s30], [sflag:$0x6], $0x1, s24, s20, $0xb8;
	[tilespmem:$0x1E700] =	vst v63  }
0x76: {  	s24 =	smov.u32 s23  }
0x77: {  	p0 =	sne.s32 s23, $0xFFFFFC00;
	s23 =	sadd.s32 $0x400, s23;
	_ =	swait.ge [sflag:s8], $0x4000  }
0x78: {  	s24 =	sshra.s32 s24, $0x2;
	[sflag:s8] =	ssyncset.done $0x0  }
0x79: {  	s25 =	sadd.s32 $0x15200, s24;
	[sflag:s8] =	ssyncadd.s32 $0xFFFFC000  }
0x7a: {  	[tilespmem:s28], [sflag:$0x2] =	stream.indirect.gather [hbm4b:s0+s20], $0x80, s25, s20, $0xb8;
	[tilespmem:$0x1E700] =	vst v63  }
0x7b: {  	_ =	swait.ge [sflag:s9], $0x80  }
0x7c: {  	[sflag:s9] =	ssyncset.done $0x0  }
0x7d: {  	[sflag:s9] =	ssyncadd.s32 $0xFFFFFF80  }
0x7e: {  	_ =	swait.ge [sflag:s29], $0x4000  }
0x7f: {  	[sflag:s29] =	ssyncset.done $0x0  }
0x80: {  	s25 =	sadd.s32 $0x16580, s24;
	[sflag:s29] =	ssyncadd.s32 $0xFFFFC000  }
0x81: {  	[spmem:s3] =	stream.indirect.scatter.add.f32 [tilespmem:s21], [sflag:$0x3], $0x80, s25, s20, $0xb8;
	[tilespmem:$0x1E700] =	vst v63  }
0x82: {  	_ = 	snop  }
0x83: {  	[spmem:s4] =	stream.indirect.scatter.add.f32 [tilespmem:s30], [sflag:$0x5], $0x1, s25, s20, $0xb8;
	[tilespmem:$0x1E700] =	vst v63  }
0x84: {  	_ =	swait.ge [sflag:s31], $0x4000  }
0x85: {  	[sflag:s31] =	ssyncset.done $0x0  }
0x86: {  	s25 =	sadd.s32 $0x15280, s24;
	[sflag:s31] =	ssyncadd.s32 $0xFFFFC000  }
0x87: {  	[tilespmem:s21], [sflag:$0x1] =	stream.indirect.gather [hbm4b:s0+s20], $0x80, s25, s20, $0xb8;
	[tilespmem:$0x1E700] =	vst v63  }
0x88: {  	_ =	swait.ge [sflag:s11], $0x80  }
0x89: {  	[sflag:s11] =	ssyncset.done $0x0  }
.Ltmp0:
0x8a: {  	[sflag:s11] =	ssyncadd.s32 $0xFFFFFF80;
	(pc) =	sbr.rel @p0 .LBB2_2-.Ltmp0, $4  }
0x8b: {  	_ =	swait.ge [sflag:s2], $0x4000  }
0x8c: {  	[sflag:s2] =	ssyncset.done $0x0  }
0x8d: {  	s24 =	sadd.s32 $0x16600, s24;
	[sflag:s2] =	ssyncadd.s32 $0xFFFFC000  }
0x8e: {  	[spmem:s3] =	stream.indirect.scatter.add.f32 [tilespmem:s28], [sflag:$0x4], $0x80, s24, s20, $0xb8;
	[tilespmem:$0x1E700] =	vst v63  }
0x8f: {  	[spmem:s4] =	stream.indirect.scatter.add.f32 [tilespmem:s30], [sflag:$0x6], $0x1, s24, s20, $0xb8;
	[tilespmem:$0x1E700] =	vst v63  }
0x90: {  	_ =	swait.ge [sflag:s8], $0x4000  }
0x91: {  	[sflag:s8] =	ssyncset.done $0x0  }
0x92: {  	[sflag:s8] =	ssyncadd.s32 $0xFFFFC000  }
0x93: {  	[tilespmem:s28], [sflag:$0x2] =	stream.indirect.gather [hbm4b:s0+s20], $0x80, s12, s20, $0xb8;
	[tilespmem:$0x1E700] =	vst v63  }
0x94: {  	_ =	swait.ge [sflag:s9], $0x80  }
0x95: {  	[sflag:s9] =	ssyncset.done $0x0  }
0x96: {  	[sflag:s9] =	ssyncadd.s32 $0xFFFFFF80  }
0x97: {  	_ =	swait.ge [sflag:s29], $0x4000  }
0x98: {  	[sflag:s29] =	ssyncset.done $0x0  }
0x99: {  	[sflag:s29] =	ssyncadd.s32 $0xFFFFC000  }
0x9a: {  	[spmem:s3] =	stream.indirect.scatter.add.f32 [tilespmem:s21], [sflag:$0x3], $0x80, s13, s20, $0xb8;
	[tilespmem:$0x1E700] =	vst v63  }
0x9b: {  	_ = 	snop  }
0x9c: {  	[spmem:s4] =	stream.indirect.scatter.add.f32 [tilespmem:s30], [sflag:$0x5], $0x1, s13, s20, $0xb8;
	[tilespmem:$0x1E700] =	vst v63  }
0x9d: {  	_ =	swait.ge [sflag:s31], $0x4000  }
0x9e: {  	[sflag:s31] =	ssyncset.done $0x0  }
0x9f: {  	[sflag:s31] =	ssyncadd.s32 $0xFFFFC000  }
0xa0: {  	_ =	swait.ge [sflag:s11], $0x80  }
0xa1: {  	[sflag:s11] =	ssyncset.done $0x0  }
0xa2: {  	[sflag:s11] =	ssyncadd.s32 $0xFFFFFF80  }
0xa3: {  	_ =	swait.ge [sflag:s2], $0x4000  }
0xa4: {  	[sflag:s2] =	ssyncset.done $0x0  }
0xa5: {  	[sflag:s2] =	ssyncadd.s32 $0xFFFFC000  }
0xa6: {  	[spmem:s3] =	stream.indirect.scatter.add.f32 [tilespmem:s28], [sflag:$0x4], $0x80, s14, s20, $0xb8;
	[tilespmem:$0x1E700] =	vst v63  }
0xa7: {  	_ = 	snop  }
0xa8: {  	[spmem:s4] =	stream.indirect.scatter.add.f32 [tilespmem:s30], [sflag:$0x6], $0x1, s14, s20, $0xb8;
	[tilespmem:$0x1E700] =	vst v63  }
0xa9: {  	_ =	swait.ge [sflag:s8], $0x4000  }
0xaa: {  	[sflag:s8] =	ssyncset.done $0x0  }
0xab: {  	[sflag:s8] =	ssyncadd.s32 $0xFFFFC000  }
0xac: {  	_ =	swait.ge [sflag:s9], $0x80  }
0xad: {  	[sflag:s9] =	ssyncset.done $0x0  }
0xae: {  	[sflag:s9] =	ssyncadd.s32 $0xFFFFFF80  }
0xaf: {  	_ =	swait.ge [sflag:s11], $0x80  }
0xb0: {  	[sflag:s11] =	ssyncset.done $0x0  }
0xb1: {  	s23 =	rddreg [dreg:$0xa];
	[sflag:s11] =	ssyncadd.s32 $0xFFFFFF80  }
0xb2: {  	[tilespmem:s17], [sflag:$0x7] =	stream.linear.gather [hbm4b:s23+s5], $0x1400, $0x38;
	[tilespmem:$0x1E700] =	vst v63  }
0xb3: {  	_ =	swait.ge [sflag:s18], $0x1400  }
0xb4: {  	[sflag:s18] =	ssyncset.done $0x0  }
0xb5: {  	s25 =	rddreg [dreg:$0xb];
	[sflag:s18] =	ssyncadd.s32 $0xFFFFEC00  }
0xb6: {  	[tilespmem:s19], [sflag:$0x7] =	stream.linear.gather [hbm4b:s25+s5], $0x1400, $0x38;
	[tilespmem:$0x1E700] =	vst v63  }
0xb7: {  	_ =	swait.ge [sflag:s18], $0x1400  }
0xb8: {  	[sflag:s18] =	ssyncset.done $0x0  }
0xb9: {  	[sflag:s18] =	ssyncadd.s32 $0xFFFFEC00  }
0xba: {  	[tilespmem:s21], [sflag:$0x1] =	stream.indirect.gather [hbm4b:s0+s20], $0x80, s17, s20, $0xb8;
	[tilespmem:$0x1E700] =	vst v63  }
0xbb: {  	s24 =	simm.s32 $0x13F00  }
0xbc: {  	[tilespmem:s28], [sflag:$0x2] =	stream.indirect.gather [hbm4b:s0+s20], $0x80, s24, s20, $0xb8;
	[tilespmem:$0x1E700] =	vst v63  }
0xbd: {  	_ =	swait.ge [sflag:s29], $0x4000  }
0xbe: {  	[sflag:s29] =	ssyncset.done $0x0  }
0xbf: {  	[sflag:s29] =	ssyncadd.s32 $0xFFFFC000  }
0xc0: {  	[spmem:s3] =	stream.indirect.scatter.add.f32 [tilespmem:s21], [sflag:$0x3], $0x80, s19, s20, $0xb8;
	[tilespmem:$0x1E700] =	vst v63  }
0xc1: {  	_ = 	snop  }
0xc2: {  	[spmem:s4] =	stream.indirect.scatter.add.f32 [tilespmem:s30], [sflag:$0x5], $0x1, s19, s20, $0xb8;
	[tilespmem:$0x1E700] =	vst v63  }
0xc3: {  	_ =	swait.ge [sflag:s31], $0x4000  }
0xc4: {  	[sflag:s31] =	ssyncset.done $0x0  }
0xc5: {  	[sflag:s31] =	ssyncadd.s32 $0xFFFFC000  }
0xc6: {  	[tilespmem:s21], [sflag:$0x1] =	stream.indirect.gather [hbm4b:s0+s20], $0x80, s1, s20, $0xb8;
	[tilespmem:$0x1E700] =	vst v63  }
0xc7: {  	_ =	swait.ge [sflag:s2], $0x4000  }
0xc8: {  	[sflag:s2] =	ssyncset.done $0x0  }
0xc9: {  	[sflag:s2] =	ssyncadd.s32 $0xFFFFC000  }
0xca: {  	[spmem:s3] =	stream.indirect.scatter.add.f32 [tilespmem:s28], [sflag:$0x4], $0x80, s7, s20, $0xb8;
	[tilespmem:$0x1E700] =	vst v63  }
0xcb: {  	_ = 	snop  }
0xcc: {  	[spmem:s4] =	stream.indirect.scatter.add.f32 [tilespmem:s30], [sflag:$0x6], $0x1, s7, s20, $0xb8;
	[tilespmem:$0x1E700] =	vst v63  }
0xcd: {  	_ =	swait.ge [sflag:s8], $0x4000  }
0xce: {  	[sflag:s8] =	ssyncset.done $0x0  }
0xcf: {  	s25 =	simm.s32 $0x14000;
	[sflag:s8] =	ssyncadd.s32 $0xFFFFC000  }
0xd0: {  	[tilespmem:s28], [sflag:$0x2] =	stream.indirect.gather [hbm4b:s0+s20], $0x80, s25, s20, $0xb8;
	[tilespmem:$0x1E700] =	vst v63  }
0xd1: {  	_ =	swait.ge [sflag:s9], $0x80  }
0xd2: {  	[sflag:s9] =	ssyncset.done $0x0  }
0xd3: {  	[sflag:s9] =	ssyncadd.s32 $0xFFFFFF80  }
0xd4: {  	_ =	swait.ge [sflag:s29], $0x4000  }
0xd5: {  	[sflag:s29] =	ssyncset.done $0x0  }
0xd6: {  	s24 =	simm.s32 $0x15380;
	[sflag:s29] =	ssyncadd.s32 $0xFFFFC000  }
0xd7: {  	[spmem:s3] =	stream.indirect.scatter.add.f32 [tilespmem:s21], [sflag:$0x3], $0x80, s24, s20, $0xb8;
	[tilespmem:$0x1E700] =	vst v63  }
0xd8: {  	_ = 	snop  }
0xd9: {  	[spmem:s4] =	stream.indirect.scatter.add.f32 [tilespmem:s30], [sflag:$0x5], $0x1, s24, s20, $0xb8;
	[tilespmem:$0x1E700] =	vst v63  }
0xda: {  	_ =	swait.ge [sflag:s31], $0x4000  }
0xdb: {  	[sflag:s31] =	ssyncset.done $0x0  }
0xdc: {  	s25 =	simm.s32 $0x14080;
	[sflag:s31] =	ssyncadd.s32 $0xFFFFC000  }
0xdd: {  	[tilespmem:s21], [sflag:$0x1] =	stream.indirect.gather [hbm4b:s0+s20], $0x80, s25, s20, $0xb8;
	[tilespmem:$0x1E700] =	vst v63  }
0xde: {  	_ =	swait.ge [sflag:s11], $0x80  }
0xdf: {  	[sflag:s11] =	ssyncset.done $0x0  }
0xe0: {  	[sflag:s11] =	ssyncadd.s32 $0xFFFFFF80  }
0xe1: {  	_ =	swait.ge [sflag:s2], $0x4000  }
0xe2: {  	[sflag:s2] =	ssyncset.done $0x0  }
0xe3: {  	s23 =	simm.s32 $0xFFFFBC00;
	s24 =	simm.s32 $0x15400;
	[sflag:s2] =	ssyncadd.s32 $0xFFFFC000  }
0xe4: {  	[spmem:s3] =	stream.indirect.scatter.add.f32 [tilespmem:s28], [sflag:$0x4], $0x80, s24, s20, $0xb8;
	[tilespmem:$0x1E700] =	vst v63  }
.LBB2_4:
0xe5: {  	[spmem:s4] =	stream.indirect.scatter.add.f32 [tilespmem:s30], [sflag:$0x6], $0x1, s24, s20, $0xb8;
	[tilespmem:$0x1E700] =	vst v63  }
0xe6: {  	s24 =	smov.u32 s23  }
0xe7: {  	p0 =	sne.s32 s23, $0xFFFFFC00;
	s23 =	sadd.s32 $0x400, s23;
	_ =	swait.ge [sflag:s8], $0x4000  }
0xe8: {  	s24 =	sshra.s32 s24, $0x2;
	[sflag:s8] =	ssyncset.done $0x0  }
0xe9: {  	s25 =	sadd.s32 $0x15200, s24;
	[sflag:s8] =	ssyncadd.s32 $0xFFFFC000  }
0xea: {  	[tilespmem:s28], [sflag:$0x2] =	stream.indirect.gather [hbm4b:s0+s20], $0x80, s25, s20, $0xb8;
	[tilespmem:$0x1E700] =	vst v63  }
0xeb: {  	_ =	swait.ge [sflag:s9], $0x80  }
0xec: {  	[sflag:s9] =	ssyncset.done $0x0  }
0xed: {  	[sflag:s9] =	ssyncadd.s32 $0xFFFFFF80  }
0xee: {  	_ =	swait.ge [sflag:s29], $0x4000  }
0xef: {  	[sflag:s29] =	ssyncset.done $0x0  }
0xf0: {  	s25 =	sadd.s32 $0x16580, s24;
	[sflag:s29] =	ssyncadd.s32 $0xFFFFC000  }
0xf1: {  	[spmem:s3] =	stream.indirect.scatter.add.f32 [tilespmem:s21], [sflag:$0x3], $0x80, s25, s20, $0xb8;
	[tilespmem:$0x1E700] =	vst v63  }
0xf2: {  	_ = 	snop  }
0xf3: {  	[spmem:s4] =	stream.indirect.scatter.add.f32 [tilespmem:s30], [sflag:$0x5], $0x1, s25, s20, $0xb8;
	[tilespmem:$0x1E700] =	vst v63  }
0xf4: {  	_ =	swait.ge [sflag:s31], $0x4000  }
0xf5: {  	[sflag:s31] =	ssyncset.done $0x0  }
0xf6: {  	s25 =	sadd.s32 $0x15280, s24;
	[sflag:s31] =	ssyncadd.s32 $0xFFFFC000  }
0xf7: {  	[tilespmem:s21], [sflag:$0x1] =	stream.indirect.gather [hbm4b:s0+s20], $0x80, s25, s20, $0xb8;
	[tilespmem:$0x1E700] =	vst v63  }
0xf8: {  	_ =	swait.ge [sflag:s11], $0x80  }
0xf9: {  	[sflag:s11] =	ssyncset.done $0x0  }
.Ltmp1:
0xfa: {  	[sflag:s11] =	ssyncadd.s32 $0xFFFFFF80;
	(pc) =	sbr.rel @p0 .LBB2_4-.Ltmp1, $4  }
0xfb: {  	_ =	swait.ge [sflag:s2], $0x4000  }
0xfc: {  	[sflag:s2] =	ssyncset.done $0x0  }
0xfd: {  	s24 =	sadd.s32 $0x16600, s24;
	[sflag:s2] =	ssyncadd.s32 $0xFFFFC000  }
0xfe: {  	[spmem:s3] =	stream.indirect.scatter.add.f32 [tilespmem:s28], [sflag:$0x4], $0x80, s24, s20, $0xb8;
	[tilespmem:$0x1E700] =	vst v63  }
0xff: {  	[spmem:s4] =	stream.indirect.scatter.add.f32 [tilespmem:s30], [sflag:$0x6], $0x1, s24, s20, $0xb8;
	[tilespmem:$0x1E700] =	vst v63  }
0x100: {  	_ =	swait.ge [sflag:s8], $0x4000  }
0x101: {  	[sflag:s8] =	ssyncset.done $0x0  }
0x102: {  	[sflag:s8] =	ssyncadd.s32 $0xFFFFC000  }
0x103: {  	[tilespmem:s28], [sflag:$0x2] =	stream.indirect.gather [hbm4b:s0+s20], $0x80, s12, s20, $0xb8;
	[tilespmem:$0x1E700] =	vst v63  }
0x104: {  	_ =	swait.ge [sflag:s9], $0x80  }
0x105: {  	[sflag:s9] =	ssyncset.done $0x0  }
0x106: {  	[sflag:s9] =	ssyncadd.s32 $0xFFFFFF80  }
0x107: {  	_ =	swait.ge [sflag:s29], $0x4000  }
0x108: {  	[sflag:s29] =	ssyncset.done $0x0  }
0x109: {  	[sflag:s29] =	ssyncadd.s32 $0xFFFFC000  }
0x10a: {  	[spmem:s3] =	stream.indirect.scatter.add.f32 [tilespmem:s21], [sflag:$0x3], $0x80, s13, s20, $0xb8;
	[tilespmem:$0x1E700] =	vst v63  }
0x10b: {  	_ = 	snop  }
0x10c: {  	[spmem:s4] =	stream.indirect.scatter.add.f32 [tilespmem:s30], [sflag:$0x5], $0x1, s13, s20, $0xb8;
	[tilespmem:$0x1E700] =	vst v63  }
0x10d: {  	_ =	swait.ge [sflag:s31], $0x4000  }
0x10e: {  	[sflag:s31] =	ssyncset.done $0x0  }
0x10f: {  	[sflag:s31] =	ssyncadd.s32 $0xFFFFC000  }
0x110: {  	_ =	swait.ge [sflag:s11], $0x80  }
0x111: {  	[sflag:s11] =	ssyncset.done $0x0  }
0x112: {  	[sflag:s11] =	ssyncadd.s32 $0xFFFFFF80  }
0x113: {  	_ =	swait.ge [sflag:s2], $0x4000  }
0x114: {  	[sflag:s2] =	ssyncset.done $0x0  }
0x115: {  	[sflag:s2] =	ssyncadd.s32 $0xFFFFC000  }
0x116: {  	[spmem:s3] =	stream.indirect.scatter.add.f32 [tilespmem:s28], [sflag:$0x4], $0x80, s14, s20, $0xb8;
	[tilespmem:$0x1E700] =	vst v63  }
0x117: {  	_ = 	snop  }
0x118: {  	[spmem:s4] =	stream.indirect.scatter.add.f32 [tilespmem:s30], [sflag:$0x6], $0x1, s14, s20, $0xb8;
	[tilespmem:$0x1E700] =	vst v63  }
0x119: {  	_ =	swait.ge [sflag:s8], $0x4000  }
0x11a: {  	[sflag:s8] =	ssyncset.done $0x0  }
0x11b: {  	[sflag:s8] =	ssyncadd.s32 $0xFFFFC000  }
0x11c: {  	_ =	swait.ge [sflag:s9], $0x80  }
0x11d: {  	[sflag:s9] =	ssyncset.done $0x0  }
0x11e: {  	[sflag:s9] =	ssyncadd.s32 $0xFFFFFF80  }
0x11f: {  	_ =	swait.ge [sflag:s11], $0x80  }
0x120: {  	[sflag:s11] =	ssyncset.done $0x0  }
0x121: {  	[sflag:s11] =	ssyncadd.s32 $0xFFFFFF80  }
0x122: {  	[bflag:$0x0] =	sbarrier.arrive $0xFFFF  }
0x123: {  	s23 =	rddreg [dreg:$0xc]  }
0x124: {  	[hbm:s23], [sflag:s16] =	dma.local [spmem:s26], $0x2780  }
0x125: {  	_ =	swait.ge [sflag:s18], $0x2780  }
0x126: {  	[sflag:s18] =	ssyncset.done $0x0  }
0x127: {  	s25 =	rddreg [dreg:$0xd];
	[sflag:s18] =	ssyncadd.s32 $0xFFFFD880  }
0x128: {  	[hbm:s25], [sflag:s16] =	dma.local [spmem:s22], $0x50  }
0x129: {  	_ =	swait.ge [sflag:s18], $0x50  }
0x12a: {  	s15 =	sadd.s32 $0x1, s15;
	s26 =	rddreg [dreg:$0xe]  }
0x12b: {  	p0 =	sne.s32 s15, s26  }
.Ltmp2:
0x12c: {  	_ = 	snop;
	(pc) =	sbr.rel @p0 .LBB2_1-.Ltmp2, $3  }
0x12d: {  	_ =	sdelay $0x1  }
0x12e: {  	[sflag:s18] =	ssyncset.done $0x0  }
0x12f: {  	[sflag:s18] =	ssyncadd.s32 $0xFFFFFFB0  }
0x130: {  	_ =	sfence.sel $0x180000  }
0x131: {  	[bflag:$0x0] =	sbarrier.arrive $0xFFFF  }
0x132: {  	_ =	strace $0x90000047  }
0x133: {  	s0 =	stileid.u32;
	[bflag:$0x2] =	sbarrier.arrive $0xFFFF  }
0x134: {  	p0 =	sne.s32 s0, $0x0;
	s0 =	rddreg [dreg:$0x5]  }
0x135: {  	s0 =	sadd.s32 @!p0 $0x100000, s0  }
0x136: {  	[sflag:s0] =	ssyncadd.tile.s32 @!p0 $0x1;
	_ =	shalt  }
.Lfunc_end2:
_tile_overlayer_lowered:
.L_overlay_start_2:
0x137: {  	(tag) =	ssettag $0x2  }
0x138: {  	s0 =	rddreg [dreg:$0x0];
	s2 =	stileid.u32  }
0x139: {  	s1 =	rddreg [dreg:$0x1];
	p0 =	sne.s32 s2, $0x0  }
0x13a: {  	s3 =	rddreg [dreg:$0x2];
	[bflag:$0x3] =	sbarrier.arrive $0xFFFF;
	s2 =	simm.s32 @!p0 $0x1C07  }
0x13b: {  	[timem:s3], [sflag:s2] =	dma.local @!p0 [hbm:s0], s1  }
0x13c: {  	s0 =	simm.s32 @!p0 $0x7  }
0x13d: {  	_ =	swait.ge @!p0 [sflag:s0], s1  }
0x13e: {  	s1 =	ssub.s32 @!p0 $0x0, s1;
	[sflag:s0] =	ssyncset.done @!p0 $0x0  }
0x13f: {  	[sflag:s0] =	ssyncadd.s32 @!p0 s1  }
0x140: {  	[bflag:$0x3] =	sbarrier.arrive $0xFFFF  }
0x141: {  	_ =	shalt  }

</sc_bundles>
